<compile_context>
chip_gen: v7x
topology: tpu7x:2x2x1
jax: 0.10.2.dev20260603
libtpu: 0.0.44.dev20260713+nightly
codegen_flags: <defaults>
</compile_context>

<pallas_src>
import jax
import jax.numpy as jnp
import numpy as np
from jax import lax
from jax.experimental import pallas as pl
from jax.experimental.pallas import tpu as pltpu
from jax.experimental.pallas import tpu_sc as plsc

N_NODES = 10000
D = 128
N_EDGES = 320000

NUM_TILES = 32
FPT = D // NUM_TILES
PPT = FPT // 2
EC = 8000
NCHUNK = N_EDGES // EC

NINF_PAIR = int(np.array(0xFF80FF80, dtype=np.uint32).view(np.int32))
ONES_PAIR = int(np.array(0x3F803F80, dtype=np.uint32).view(np.int32))


def _sc_body(xt_hbm, src_hbm, dst_hbm, acc_hbm,
             xp0, xp1, ap0, ap1, srcv, dstv, sem0, sem1):
    cid = lax.axis_index("c")
    sid = lax.axis_index("s")
    wid = sid * 2 + cid
    seg = PPT * N_NODES

    xps = [xp0, xp1]
    aps = [ap0, ap1]
    sems = [sem0, sem1]

    for p in range(PPT):
        pltpu.sync_copy(
            xt_hbm.at[pl.ds(wid * seg + p * N_NODES, N_NODES)], xps[p])

    ninf16 = jnp.full((16,), NINF_PAIR, dtype=jnp.int32)

    def init_acc(r, carry):
        for p in range(PPT):
            aps[p][pl.ds(r * 16, 16)] = ninf16
        return carry

    lax.fori_loop(0, N_NODES // 16, init_acc, 0)

    def fire(ch, slot):
        ebase = ch * EC
        sem = sems[slot]
        pltpu.async_copy(src_hbm.at[pl.ds(ebase, EC)],
                         srcv.at[pl.ds(slot * EC, EC)], sem)
        pltpu.async_copy(dst_hbm.at[pl.ds(ebase, EC)],
                         dstv.at[pl.ds(slot * EC, EC)], sem)

    def drain(slot):
        sem = sems[slot]
        pltpu.make_async_copy(src_hbm.at[pl.ds(0, EC)],
                              srcv.at[pl.ds(slot * EC, EC)], sem).wait()
        pltpu.make_async_copy(dst_hbm.at[pl.ds(0, EC)],
                              dstv.at[pl.ds(slot * EC, EC)], sem).wait()

    def process(slot):
        base = slot * EC

        def one_vec(off, resid):
            sv = srcv[pl.ds(off, 16)]
            dv = dstv[pl.ds(off, 16)]
            vals = [plsc.bitcast(plsc.load_gather(xps[p], [sv]),
                                 jnp.bfloat16) for p in range(PPT)]
            cnt, lastm = plsc.scan_count(dv)

            for p in range(PPT):
                cur = plsc.bitcast(plsc.load_gather(aps[p], [dv]),
                                   jnp.bfloat16)
                plsc.store_scatter(
                    aps[p], [dv],
                    plsc.bitcast(jnp.maximum(cur, vals[p]), jnp.int32),
                    mask=lastm)

            nlast = ~lastm
            for p in range(PPT):
                back = plsc.bitcast(plsc.load_gather(aps[p], [dv]),
                                    jnp.bfloat16)
                plsc.store_scatter(
                    aps[p], [dv],
                    plsc.bitcast(jnp.maximum(back, vals[p]), jnp.int32),
                    mask=nlast)

            return resid | (cnt >= 3).astype(jnp.int32)

        def step(j, resid):
            off = base + j * 32
            resid = one_vec(off, resid)
            return one_vec(off + 16, resid)

        resid = lax.fori_loop(0, EC // 32, step,
                              jnp.zeros((16,), dtype=jnp.int32))
        nres = plsc.all_reduce_population_count(resid != 0)

        @pl.when(nres[0] > 0)
        def _():
            def fixstep(j, carry2):
                sv = srcv[pl.ds(base + j * 16, 16)]
                dv = dstv[pl.ds(base + j * 16, 16)]
                vals = [plsc.bitcast(plsc.load_gather(xps[p], [sv]),
                                     jnp.bfloat16) for p in range(PPT)]
                for _ in range(15):
                    for p in range(PPT):
                        back = plsc.bitcast(plsc.load_gather(aps[p], [dv]),
                                            jnp.bfloat16)
                        okh = jnp.where(back >= vals[p],
                                        jnp.bfloat16(1.0), jnp.bfloat16(0.0))
                        pend = plsc.bitcast(okh, jnp.int32) != ONES_PAIR
                        plsc.store_scatter(
                            aps[p], [dv],
                            plsc.bitcast(jnp.maximum(back, vals[p]),
                                         jnp.int32),
                            mask=pend)
                return carry2

            lax.fori_loop(0, EC // 16, fixstep, 0)

    fire(0, 0)

    def pair_body(i, carry):
        ch0 = pl.multiple_of(i * 2, 2)
        drain(0)
        fire(ch0 + 1, 1)
        process(0)
        drain(1)

        @pl.when(ch0 + 2 < NCHUNK)
        def _():
            fire(ch0 + 2, 0)

        process(1)
        return carry

    lax.fori_loop(0, NCHUNK // 2, pair_body, 0)

    for p in range(PPT):
        pltpu.sync_copy(
            aps[p], acc_hbm.at[pl.ds(wid * seg + p * N_NODES, N_NODES)])


def _segment_max_sc(xt, src, dst):
    mesh = plsc.VectorSubcoreMesh(core_axis_name="c", subcore_axis_name="s",
                                  num_cores=2, num_subcores=16)
    return pl.kernel(
        _sc_body,
        out_type=jax.ShapeDtypeStruct((NUM_TILES * PPT * N_NODES,),
                                      jnp.int32),
        mesh=mesh,
        scratch_types=[
            pltpu.VMEM((N_NODES,), jnp.int32),
            pltpu.VMEM((N_NODES,), jnp.int32),
            pltpu.VMEM((N_NODES,), jnp.int32),
            pltpu.VMEM((N_NODES,), jnp.int32),
            pltpu.VMEM((2 * EC,), jnp.int32),
            pltpu.VMEM((2 * EC,), jnp.int32),
            pltpu.SemaphoreType.DMA,
            pltpu.SemaphoreType.DMA,
        ],
        compiler_params=pltpu.CompilerParams(needs_layout_passes=False),
    )(xt, src, dst)


def _dense_body(x_ref, m_ref, w_ref, b_ref, o_ref):
    xb = x_ref[...]
    mb = m_ref[...].astype(jnp.float32)
    xj = jnp.where(jnp.isneginf(mb), 0.0, mb - xb)
    h = jnp.dot(xb, w_ref[0:D, :], preferred_element_type=jnp.float32)
    h = h + jnp.dot(xj, w_ref[D:2 * D, :], preferred_element_type=jnp.float32)
    o_ref[...] = jnp.maximum(h + b_ref[...], 0.0)


def _dense_tc(x, m, W, b):
    blk = 400
    grid = N_NODES // blk
    return pl.pallas_call(
        _dense_body,
        out_shape=jax.ShapeDtypeStruct((N_NODES, D), jnp.float32),
        grid=(grid,),
        in_specs=[
            pl.BlockSpec((blk, D), lambda i: (i, 0)),
            pl.BlockSpec((blk, D), lambda i: (i, 0)),
            pl.BlockSpec((2 * D, D), lambda i: (0, 0)),
            pl.BlockSpec((1, D), lambda i: (0, 0)),
        ],
        out_specs=pl.BlockSpec((blk, D), lambda i: (i, 0)),
    )(x, m, W, b)


def kernel(x, edge_index, W, b):
    src = edge_index[0].astype(jnp.int32)
    dst = edge_index[1].astype(jnp.int32)
    xb = x.astype(jnp.bfloat16)
    xp = lax.bitcast_convert_type(xb.reshape(N_NODES, D // 2, 2), jnp.int32)
    xt = xp.T.reshape(-1)
    acc = _segment_max_sc(xt, src, dst)
    mp = acc.reshape(D // 2, N_NODES).T
    m = lax.bitcast_convert_type(mp, jnp.bfloat16).reshape(N_NODES, D)
    return _dense_tc(x, m, W, b.reshape(1, D))

# --- scband reference (transcript-rebuilt; emitter-appended) ---
"""Pipeline reference for scband-graph-conv-20289425506353 (READ-ONLY COPY).

The authoritative reference and input builder live on the scoring server;
editing this copy changes nothing except your own understanding.
"""

import jax, jax.numpy as jnp
import numpy as np

N_NODES = 10000
N_EDGES = 320000
D_IN = 128
D_OUT = 128


def setup_inputs(seed: int = 0) -> dict:
    key = jax.random.key(seed)
    k1, k2, k3, k4, k5 = jax.random.split(key, 5)
    x = jax.random.normal(k1, (N_NODES, D_IN), dtype=jnp.float32)
    edge_index = jax.random.randint(k2, (2, N_EDGES), 0, N_NODES, dtype=jnp.int64)
    # MLP([in_channels*2, out_channels]) -> Linear(2*D_IN, D_OUT) + ReLU
    limit = 1.0 / np.sqrt(2 * D_IN)
    W = jax.random.uniform(k3, (2 * D_IN, D_OUT), dtype=jnp.float32, minval=-limit, maxval=limit)
    b = jax.random.uniform(k4, (D_OUT,), dtype=jnp.float32, minval=-limit, maxval=limit)
    return {"x": x, "edge_index": edge_index, "W": W, "b": b}


def reference(x, edge_index, W, b):
    src = edge_index[0]
    dst = edge_index[1]
    # Max-Relative Graph Convolution: scatter-max of (x_src - x_dst) into dst nodes
    diff = jnp.take(x, src, axis=0) - jnp.take(x, dst, axis=0)
    x_j = jax.ops.segment_max(diff, dst, num_segments=N_NODES)
    # torch_geometric's old scatter_('max', ...) used fill_value 0 for empty segments
    x_j = jnp.where(jnp.isneginf(x_j), 0.0, x_j)
    h = jnp.concatenate([x, x_j], axis=1)
    out = jnp.maximum(h @ W + b, 0.0)
    return out

if __name__ == "__main__":
    import jax
    _d = setup_inputs()
    print(jax.jit(kernel)(*tuple(_d.values())))

</pallas_src>

<mosaic_0001>
#map = affine_map<(d0, d1) -> (0)>
module attributes {stable_mosaic.version = 14 : i64} {
  func.func @_sc_body(%arg0: i32, %arg1: i32, %arg2: memref<640000xi32, #tpu.memory_space<hbm>>, %arg3: memref<320000xi32, #tpu.memory_space<hbm>>, %arg4: memref<320000xi32, #tpu.memory_space<hbm>>, %arg5: memref<640000xi32, #tpu.memory_space<hbm>>, %arg6: memref<10000xi32, #tpu.memory_space<vmem>>, %arg7: memref<10000xi32, #tpu.memory_space<vmem>>, %arg8: memref<10000xi32, #tpu.memory_space<vmem>>, %arg9: memref<10000xi32, #tpu.memory_space<vmem>>, %arg10: memref<16000xi32, #tpu.memory_space<vmem>>, %arg11: memref<16000xi32, #tpu.memory_space<vmem>>, %arg12: memref<!tpu.dma_semaphore, #tpu.memory_space<semaphore_mem>>, %arg13: memref<!tpu.dma_semaphore, #tpu.memory_space<semaphore_mem>>) attributes {dimension_semantics = [#tpu.dimension_semantics<core_parallel>, #tpu.dimension_semantics<subcore_parallel>], iteration_bounds = array<i64: 2, 16>, scalar_prefetch = 0 : i64, scratch_operands = 8 : i64, tpu.core_type = #tpu.core_type<sc_vector_subcore>, window_params = [{transform_indices = #map}, {transform_indices = #map}, {transform_indices = #map}, {transform_indices = #map}]} {
    %mul3A = arith.constant 2 : i32
    %mul3A_0 = arith.muli %arg1, %mul3A : i32
    %add3A = arith.addi %mul3A_0, %arg0 : i32
    %mul3A_1 = arith.constant 20000 : i32
    %mul3A_2 = arith.muli %add3A, %mul3A_1 : i32
    %add3A_3 = arith.constant 0 : i32
    %add3A_4 = arith.addi %mul3A_2, %add3A_3 : i32
    "tpu.region"() ({
      %run_scoped3A = tpu.sem_alloc : memref<!tpu.dma_semaphore, #tpu.memory_space<semaphore_mem>>
      %dma_start3A_44 = tpu.memref_slice %arg2[%add3A_4] : memref<640000xi32, #tpu.memory_space<hbm>> -> memref<10000xi32, #tpu.memory_space<hbm>>
      %dma_start3A_45 = tpu.memref_slice %arg2[%add3A_4] : memref<640000xi32, #tpu.memory_space<hbm>> -> memref<10000xi32, #tpu.memory_space<hbm>>
      tpu.enqueue_dma source(%dma_start3A_45 : memref<10000xi32, #tpu.memory_space<hbm>>) target(%arg6 : memref<10000xi32, #tpu.memory_space<vmem>>) target_semaphore(%run_scoped3A : memref<!tpu.dma_semaphore, #tpu.memory_space<semaphore_mem>>)
      %dma_wait3A = tpu.memref_slice %arg2[%add3A_4] : memref<640000xi32, #tpu.memory_space<hbm>> -> memref<10000xi32, #tpu.memory_space<hbm>>
      %dma_wait3A_46 = tpu.memref_slice %arg2[%add3A_4] : memref<640000xi32, #tpu.memory_space<hbm>> -> memref<10000xi32, #tpu.memory_space<hbm>>
      tpu.wait_dma2 semaphore(%run_scoped3A : memref<!tpu.dma_semaphore, #tpu.memory_space<semaphore_mem>>) src(%dma_wait3A_46 : memref<10000xi32, #tpu.memory_space<hbm>>) dst(%arg6 : memref<10000xi32, #tpu.memory_space<vmem>>)
      tpu.yield
    }) : () -> ()
    %mul3A_5 = arith.constant 20000 : i32
    %mul3A_6 = arith.muli %add3A, %mul3A_5 : i32
    %add3A_7 = arith.constant 10000 : i32
    %add3A_8 = arith.addi %mul3A_6, %add3A_7 : i32
    "tpu.region"() ({
      %run_scoped3A = tpu.sem_alloc : memref<!tpu.dma_semaphore, #tpu.memory_space<semaphore_mem>>
      %dma_start3A_44 = tpu.memref_slice %arg2[%add3A_8] : memref<640000xi32, #tpu.memory_space<hbm>> -> memref<10000xi32, #tpu.memory_space<hbm>>
      %dma_start3A_45 = tpu.memref_slice %arg2[%add3A_8] : memref<640000xi32, #tpu.memory_space<hbm>> -> memref<10000xi32, #tpu.memory_space<hbm>>
      tpu.enqueue_dma source(%dma_start3A_45 : memref<10000xi32, #tpu.memory_space<hbm>>) target(%arg7 : memref<10000xi32, #tpu.memory_space<vmem>>) target_semaphore(%run_scoped3A : memref<!tpu.dma_semaphore, #tpu.memory_space<semaphore_mem>>)
      %dma_wait3A = tpu.memref_slice %arg2[%add3A_8] : memref<640000xi32, #tpu.memory_space<hbm>> -> memref<10000xi32, #tpu.memory_space<hbm>>
      %dma_wait3A_46 = tpu.memref_slice %arg2[%add3A_8] : memref<640000xi32, #tpu.memory_space<hbm>> -> memref<10000xi32, #tpu.memory_space<hbm>>
      tpu.wait_dma2 semaphore(%run_scoped3A : memref<!tpu.dma_semaphore, #tpu.memory_space<semaphore_mem>>) src(%dma_wait3A_46 : memref<10000xi32, #tpu.memory_space<hbm>>) dst(%arg7 : memref<10000xi32, #tpu.memory_space<vmem>>)
      tpu.yield
    }) : () -> ()
    %broadcast_in_dim3A = arith.constant -8323200 : i32
    %broadcast_in_dim3A_9 = vector.broadcast %broadcast_in_dim3A : i32 to vector<16xi32>
    %scan3A = arith.constant 0 : i32
    %scan3A_10 = arith.constant 0 : i32
    %scan3A_11 = arith.constant 625 : i32
    %scan3A_12 = arith.addi %scan3A_10, %scan3A_11 : i32
    %scan3A_13 = arith.constant 1 : i32
    scf.for %scan3A_44 = %scan3A_10 to %scan3A_12 step %scan3A_13  : i32 {
      %mul3A_45 = arith.constant 16 : i32
      %mul3A_46 = arith.muli %scan3A_44, %mul3A_45 : i32
      %swap3A = arith.index_cast %mul3A_46 : i32 to index
      %swap3A_47 = tpu.vector_load %arg8[%swap3A] {strides = array<i32>} : memref<10000xi32, #tpu.memory_space<vmem>>, vector<16xi32>,
      tpu.vector_store %arg8[%swap3A], %broadcast_in_dim3A_9 {strides = array<i32>} : memref<10000xi32, #tpu.memory_space<vmem>>, vector<16xi32>,
      %mul3A_48 = arith.constant 16 : i32
      %mul3A_49 = arith.muli %scan3A_44, %mul3A_48 : i32
      %swap3A_50 = arith.index_cast %mul3A_49 : i32 to index
      %swap3A_51 = tpu.vector_load %arg9[%swap3A_50] {strides = array<i32>} : memref<10000xi32, #tpu.memory_space<vmem>>, vector<16xi32>,
      tpu.vector_store %arg9[%swap3A_50], %broadcast_in_dim3A_9 {strides = array<i32>} : memref<10000xi32, #tpu.memory_space<vmem>>, vector<16xi32>,
    }
    %scan3A_14 = arith.constant 625 : i32
    %dma_start3A = arith.constant 0 : i32
    %dma_start3A_15 = tpu.memref_slice %arg10[%dma_start3A] : memref<16000xi32, #tpu.memory_space<vmem>> -> memref<8000xi32, #tpu.memory_space<vmem>>
    %dma_start3A_16 = arith.constant 0 : i32
    %dma_start3A_17 = tpu.memref_slice %arg3[%dma_start3A_16] : memref<320000xi32, #tpu.memory_space<hbm>> -> memref<8000xi32, #tpu.memory_space<hbm>>
    %dma_start3A_18 = arith.constant 0 : i32
    %dma_start3A_19 = tpu.memref_slice %arg10[%dma_start3A_18] : memref<16000xi32, #tpu.memory_space<vmem>> -> memref<8000xi32, #tpu.memory_space<vmem>>
    %dma_start3A_20 = arith.constant 0 : i32
    %dma_start3A_21 = tpu.memref_slice %arg3[%dma_start3A_20] : memref<320000xi32, #tpu.memory_space<hbm>> -> memref<8000xi32, #tpu.memory_space<hbm>>
    tpu.enqueue_dma source(%dma_start3A_21 : memref<8000xi32, #tpu.memory_space<hbm>>) target(%dma_start3A_19 : memref<8000xi32, #tpu.memory_space<vmem>>) target_semaphore(%arg12 : memref<!tpu.dma_semaphore, #tpu.memory_space<semaphore_mem>>)
    %dma_start3A_22 = arith.constant 0 : i32
    %dma_start3A_23 = tpu.memref_slice %arg11[%dma_start3A_22] : memref<16000xi32, #tpu.memory_space<vmem>> -> memref<8000xi32, #tpu.memory_space<vmem>>
    %dma_start3A_24 = arith.constant 0 : i32
    %dma_start3A_25 = tpu.memref_slice %arg4[%dma_start3A_24] : memref<320000xi32, #tpu.memory_space<hbm>> -> memref<8000xi32, #tpu.memory_space<hbm>>
    %dma_start3A_26 = arith.constant 0 : i32
    %dma_start3A_27 = tpu.memref_slice %arg11[%dma_start3A_26] : memref<16000xi32, #tpu.memory_space<vmem>> -> memref<8000xi32, #tpu.memory_space<vmem>>
    %dma_start3A_28 = arith.constant 0 : i32
    %dma_start3A_29 = tpu.memref_slice %arg4[%dma_start3A_28] : memref<320000xi32, #tpu.memory_space<hbm>> -> memref<8000xi32, #tpu.memory_space<hbm>>
    tpu.enqueue_dma source(%dma_start3A_29 : memref<8000xi32, #tpu.memory_space<hbm>>) target(%dma_start3A_27 : memref<8000xi32, #tpu.memory_space<vmem>>) target_semaphore(%arg12 : memref<!tpu.dma_semaphore, #tpu.memory_space<semaphore_mem>>)
    %scan3A_30 = arith.constant 0 : i32
    %scan3A_31 = arith.constant 0 : i32
    %scan3A_32 = arith.constant 20 : i32
    %scan3A_33 = arith.addi %scan3A_31, %scan3A_32 : i32
    %scan3A_34 = arith.constant 1 : i32
    scf.for %scan3A_44 = %scan3A_31 to %scan3A_33 step %scan3A_34  : i32 {
      %mul3A_45 = arith.constant 2 : i32
      %mul3A_46 = arith.muli %scan3A_44, %mul3A_45 : i32
      %multiple_of3A = tpu.assume_multiple %mul3A_46, 2 : i32
      %dma_wait3A = arith.constant 0 : i32
      %dma_wait3A_47 = tpu.memref_slice %arg10[%dma_wait3A] : memref<16000xi32, #tpu.memory_space<vmem>> -> memref<8000xi32, #tpu.memory_space<vmem>>
      %dma_wait3A_48 = arith.constant 0 : i32
      %dma_wait3A_49 = tpu.memref_slice %arg3[%dma_wait3A_48] : memref<320000xi32, #tpu.memory_space<hbm>> -> memref<8000xi32, #tpu.memory_space<hbm>>
      %dma_wait3A_50 = arith.constant 0 : i32
      %dma_wait3A_51 = tpu.memref_slice %arg10[%dma_wait3A_50] : memref<16000xi32, #tpu.memory_space<vmem>> -> memref<8000xi32, #tpu.memory_space<vmem>>
      %dma_wait3A_52 = arith.constant 0 : i32
      %dma_wait3A_53 = tpu.memref_slice %arg3[%dma_wait3A_52] : memref<320000xi32, #tpu.memory_space<hbm>> -> memref<8000xi32, #tpu.memory_space<hbm>>
      tpu.wait_dma2 semaphore(%arg12 : memref<!tpu.dma_semaphore, #tpu.memory_space<semaphore_mem>>) src(%dma_wait3A_53 : memref<8000xi32, #tpu.memory_space<hbm>>) dst(%dma_wait3A_51 : memref<8000xi32, #tpu.memory_space<vmem>>)
      %dma_wait3A_54 = arith.constant 0 : i32
      %dma_wait3A_55 = tpu.memref_slice %arg11[%dma_wait3A_54] : memref<16000xi32, #tpu.memory_space<vmem>> -> memref<8000xi32, #tpu.memory_space<vmem>>
      %dma_wait3A_56 = arith.constant 0 : i32
      %dma_wait3A_57 = tpu.memref_slice %arg4[%dma_wait3A_56] : memref<320000xi32, #tpu.memory_space<hbm>> -> memref<8000xi32, #tpu.memory_space<hbm>>
      %dma_wait3A_58 = arith.constant 0 : i32
      %dma_wait3A_59 = tpu.memref_slice %arg11[%dma_wait3A_58] : memref<16000xi32, #tpu.memory_space<vmem>> -> memref<8000xi32, #tpu.memory_space<vmem>>
      %dma_wait3A_60 = arith.constant 0 : i32
      %dma_wait3A_61 = tpu.memref_slice %arg4[%dma_wait3A_60] : memref<320000xi32, #tpu.memory_space<hbm>> -> memref<8000xi32, #tpu.memory_space<hbm>>
      tpu.wait_dma2 semaphore(%arg12 : memref<!tpu.dma_semaphore, #tpu.memory_space<semaphore_mem>>) src(%dma_wait3A_61 : memref<8000xi32, #tpu.memory_space<hbm>>) dst(%dma_wait3A_59 : memref<8000xi32, #tpu.memory_space<vmem>>)
      %add3A_62 = arith.constant 1 : i32
      %add3A_63 = arith.addi %multiple_of3A, %add3A_62 : i32
      %mul3A_64 = arith.constant 8000 : i32
      %mul3A_65 = arith.muli %add3A_63, %mul3A_64 : i32
      %dma_start3A_66 = arith.constant 8000 : i32
      %dma_start3A_67 = tpu.memref_slice %arg10[%dma_start3A_66] : memref<16000xi32, #tpu.memory_space<vmem>> -> memref<8000xi32, #tpu.memory_space<vmem>>
      %dma_start3A_68 = tpu.memref_slice %arg3[%mul3A_65] : memref<320000xi32, #tpu.memory_space<hbm>> -> memref<8000xi32, #tpu.memory_space<hbm>>
      %dma_start3A_69 = arith.constant 8000 : i32
      %dma_start3A_70 = tpu.memref_slice %arg10[%dma_start3A_69] : memref<16000xi32, #tpu.memory_space<vmem>> -> memref<8000xi32, #tpu.memory_space<vmem>>
      %dma_start3A_71 = tpu.memref_slice %arg3[%mul3A_65] : memref<320000xi32, #tpu.memory_space<hbm>> -> memref<8000xi32, #tpu.memory_space<hbm>>
      tpu.enqueue_dma source(%dma_start3A_71 : memref<8000xi32, #tpu.memory_space<hbm>>) target(%dma_start3A_70 : memref<8000xi32, #tpu.memory_space<vmem>>) target_semaphore(%arg13 : memref<!tpu.dma_semaphore, #tpu.memory_space<semaphore_mem>>)
      %dma_start3A_72 = arith.constant 8000 : i32
      %dma_start3A_73 = tpu.memref_slice %arg11[%dma_start3A_72] : memref<16000xi32, #tpu.memory_space<vmem>> -> memref<8000xi32, #tpu.memory_space<vmem>>
      %dma_start3A_74 = tpu.memref_slice %arg4[%mul3A_65] : memref<320000xi32, #tpu.memory_space<hbm>> -> memref<8000xi32, #tpu.memory_space<hbm>>
      %dma_start3A_75 = arith.constant 8000 : i32
      %dma_start3A_76 = tpu.memref_slice %arg11[%dma_start3A_75] : memref<16000xi32, #tpu.memory_space<vmem>> -> memref<8000xi32, #tpu.memory_space<vmem>>
      %dma_start3A_77 = tpu.memref_slice %arg4[%mul3A_65] : memref<320000xi32, #tpu.memory_space<hbm>> -> memref<8000xi32, #tpu.memory_space<hbm>>
      tpu.enqueue_dma source(%dma_start3A_77 : memref<8000xi32, #tpu.memory_space<hbm>>) target(%dma_start3A_76 : memref<8000xi32, #tpu.memory_space<vmem>>) target_semaphore(%arg13 : memref<!tpu.dma_semaphore, #tpu.memory_space<semaphore_mem>>)
      %broadcast_in_dim3A_78 = arith.constant 0 : i32
      %broadcast_in_dim3A_79 = vector.broadcast %broadcast_in_dim3A_78 : i32 to vector<16xi32>
      %scan3A_80 = arith.constant 0 : i32
      %scan3A_81 = arith.constant 250 : i32
      %scan3A_82 = arith.addi %scan3A_80, %scan3A_81 : i32
      %scan3A_83 = arith.constant 1 : i32
      %scan3A_84 = scf.for %scan3A_131 = %scan3A_80 to %scan3A_82 step %scan3A_83 iter_args(%scan3A_132 = %broadcast_in_dim3A_79) -> (vector<16xi32>)  : i32 {
        %mul3A_133 = arith.constant 32 : i32
        %mul3A_134 = arith.muli %scan3A_131, %mul3A_133 : i32
        %add3A_135 = arith.constant 0 : i32
        %add3A_136 = arith.addi %add3A_135, %mul3A_134 : i32
        %get3A = arith.index_cast %add3A_136 : i32 to index
        %get3A_137 = tpu.vector_load %arg10[%get3A] {strides = array<i32>} : memref<16000xi32, #tpu.memory_space<vmem>>, vector<16xi32>,
        %get3A_138 = arith.index_cast %add3A_136 : i32 to index
        %get3A_139 = tpu.vector_load %arg11[%get3A_138] {strides = array<i32>} : memref<16000xi32, #tpu.memory_space<vmem>>, vector<16xi32>,
        %gather3A = tpu.vector_load_idx %arg6[%get3A_137] : memref<10000xi32, #tpu.memory_space<vmem>>[vector<16xi32>], vector<16xi32>,
        %bitcast3A = vector.bitcast %gather3A : vector<16xi32> to vector<32xbf16>
        %gather3A_140 = tpu.vector_load_idx %arg7[%get3A_137] : memref<10000xi32, #tpu.memory_space<vmem>>[vector<16xi32>], vector<16xi32>,
        %bitcast3A_141 = vector.bitcast %gather3A_140 : vector<16xi32> to vector<32xbf16>
        %broadcast_in_dim3A_142 = arith.constant true
        %broadcast_in_dim3A_143 = vector.broadcast %broadcast_in_dim3A_142 : i1 to vector<16xi1>
        %unique3A, %unique3A_144 = tpu.scan_count mask(%broadcast_in_dim3A_143 : vector<16xi1>) value(%get3A_139 : vector<16xi32>) : vector<16xi1>, vector<16xi32>
        %gather3A_145 = tpu.vector_load_idx %arg8[%get3A_139] : memref<10000xi32, #tpu.memory_space<vmem>>[vector<16xi32>], vector<16xi32>,
        %bitcast3A_146 = vector.bitcast %gather3A_145 : vector<16xi32> to vector<32xbf16>
        %max3A = arith.maximumf %bitcast3A_146, %bitcast3A : vector<32xbf16>
        %bitcast3A_147 = vector.bitcast %max3A : vector<32xbf16> to vector<16xi32>
        tpu.vector_store_idx %arg8[%get3A_139], %bitcast3A_147 masked %unique3A : memref<10000xi32, #tpu.memory_space<vmem>>[vector<16xi32>], vector<16xi32>, vector<16xi1>
        %gather3A_148 = tpu.vector_load_idx %arg9[%get3A_139] : memref<10000xi32, #tpu.memory_space<vmem>>[vector<16xi32>], vector<16xi32>,
        %bitcast3A_149 = vector.bitcast %gather3A_148 : vector<16xi32> to vector<32xbf16>
        %max3A_150 = arith.maximumf %bitcast3A_149, %bitcast3A_141 : vector<32xbf16>
        %bitcast3A_151 = vector.bitcast %max3A_150 : vector<32xbf16> to vector<16xi32>
        tpu.vector_store_idx %arg9[%get3A_139], %bitcast3A_151 masked %unique3A : memref<10000xi32, #tpu.memory_space<vmem>>[vector<16xi32>], vector<16xi32>, vector<16xi1>
        %not3A = arith.constant dense<true> : vector<16xi1>
        %not3A_152 = arith.xori %unique3A, %not3A : vector<16xi1>
        %gather3A_153 = tpu.vector_load_idx %arg8[%get3A_139] : memref<10000xi32, #tpu.memory_space<vmem>>[vector<16xi32>], vector<16xi32>,
        %bitcast3A_154 = vector.bitcast %gather3A_153 : vector<16xi32> to vector<32xbf16>
        %max3A_155 = arith.maximumf %bitcast3A_154, %bitcast3A : vector<32xbf16>
        %bitcast3A_156 = vector.bitcast %max3A_155 : vector<32xbf16> to vector<16xi32>
        tpu.vector_store_idx %arg8[%get3A_139], %bitcast3A_156 masked %not3A_152 : memref<10000xi32, #tpu.memory_space<vmem>>[vector<16xi32>], vector<16xi32>, vector<16xi1>
        %gather3A_157 = tpu.vector_load_idx %arg9[%get3A_139] : memref<10000xi32, #tpu.memory_space<vmem>>[vector<16xi32>], vector<16xi32>,
        %bitcast3A_158 = vector.bitcast %gather3A_157 : vector<16xi32> to vector<32xbf16>
        %max3A_159 = arith.maximumf %bitcast3A_158, %bitcast3A_141 : vector<32xbf16>
        %bitcast3A_160 = vector.bitcast %max3A_159 : vector<32xbf16> to vector<16xi32>
        tpu.vector_store_idx %arg9[%get3A_139], %bitcast3A_160 masked %not3A_152 : memref<10000xi32, #tpu.memory_space<vmem>>[vector<16xi32>], vector<16xi32>, vector<16xi1>
        %ge3A = arith.constant 3 : i32
        %ge3A_161 = vector.broadcast %ge3A : i32 to vector<16xi32>
        %ge3A_162 = arith.cmpi sge, %unique3A_144, %ge3A_161 : vector<16xi32>
        %convert_element_type3A_163 = arith.extui %ge3A_162 : vector<16xi1> to vector<16xi32>
        %or3A = arith.ori %scan3A_132, %convert_element_type3A_163 : vector<16xi32>
        %add3A_164 = arith.constant 16 : i32
        %add3A_165 = arith.addi %add3A_136, %add3A_164 : i32
        %get3A_166 = arith.index_cast %add3A_165 : i32 to index
        %get3A_167 = tpu.vector_load %arg10[%get3A_166] {strides = array<i32>} : memref<16000xi32, #tpu.memory_space<vmem>>, vector<16xi32>,
        %get3A_168 = arith.index_cast %add3A_165 : i32 to index
        %get3A_169 = tpu.vector_load %arg11[%get3A_168] {strides = array<i32>} : memref<16000xi32, #tpu.memory_space<vmem>>, vector<16xi32>,
        %gather3A_170 = tpu.vector_load_idx %arg6[%get3A_167] : memref<10000xi32, #tpu.memory_space<vmem>>[vector<16xi32>], vector<16xi32>,
        %bitcast3A_171 = vector.bitcast %gather3A_170 : vector<16xi32> to vector<32xbf16>
        %gather3A_172 = tpu.vector_load_idx %arg7[%get3A_167] : memref<10000xi32, #tpu.memory_space<vmem>>[vector<16xi32>], vector<16xi32>,
        %bitcast3A_173 = vector.bitcast %gather3A_172 : vector<16xi32> to vector<32xbf16>
        %broadcast_in_dim3A_174 = arith.constant true
        %broadcast_in_dim3A_175 = vector.broadcast %broadcast_in_dim3A_174 : i1 to vector<16xi1>
        %unique3A_176, %unique3A_177 = tpu.scan_count mask(%broadcast_in_dim3A_175 : vector<16xi1>) value(%get3A_169 : vector<16xi32>) : vector<16xi1>, vector<16xi32>
        %gather3A_178 = tpu.vector_load_idx %arg8[%get3A_169] : memref<10000xi32, #tpu.memory_space<vmem>>[vector<16xi32>], vector<16xi32>,
        %bitcast3A_179 = vector.bitcast %gather3A_178 : vector<16xi32> to vector<32xbf16>
        %max3A_180 = arith.maximumf %bitcast3A_179, %bitcast3A_171 : vector<32xbf16>
        %bitcast3A_181 = vector.bitcast %max3A_180 : vector<32xbf16> to vector<16xi32>
        tpu.vector_store_idx %arg8[%get3A_169], %bitcast3A_181 masked %unique3A_176 : memref<10000xi32, #tpu.memory_space<vmem>>[vector<16xi32>], vector<16xi32>, vector<16xi1>
        %gather3A_182 = tpu.vector_load_idx %arg9[%get3A_169] : memref<10000xi32, #tpu.memory_space<vmem>>[vector<16xi32>], vector<16xi32>,
        %bitcast3A_183 = vector.bitcast %gather3A_182 : vector<16xi32> to vector<32xbf16>
        %max3A_184 = arith.maximumf %bitcast3A_183, %bitcast3A_173 : vector<32xbf16>
        %bitcast3A_185 = vector.bitcast %max3A_184 : vector<32xbf16> to vector<16xi32>
        tpu.vector_store_idx %arg9[%get3A_169], %bitcast3A_185 masked %unique3A_176 : memref<10000xi32, #tpu.memory_space<vmem>>[vector<16xi32>], vector<16xi32>, vector<16xi1>
        %not3A_186 = arith.constant dense<true> : vector<16xi1>
        %not3A_187 = arith.xori %unique3A_176, %not3A_186 : vector<16xi1>
        %gather3A_188 = tpu.vector_load_idx %arg8[%get3A_169] : memref<10000xi32, #tpu.memory_space<vmem>>[vector<16xi32>], vector<16xi32>,
        %bitcast3A_189 = vector.bitcast %gather3A_188 : vector<16xi32> to vector<32xbf16>
        %max3A_190 = arith.maximumf %bitcast3A_189, %bitcast3A_171 : vector<32xbf16>
        %bitcast3A_191 = vector.bitcast %max3A_190 : vector<32xbf16> to vector<16xi32>
        tpu.vector_store_idx %arg8[%get3A_169], %bitcast3A_191 masked %not3A_187 : memref<10000xi32, #tpu.memory_space<vmem>>[vector<16xi32>], vector<16xi32>, vector<16xi1>
        %gather3A_192 = tpu.vector_load_idx %arg9[%get3A_169] : memref<10000xi32, #tpu.memory_space<vmem>>[vector<16xi32>], vector<16xi32>,
        %bitcast3A_193 = vector.bitcast %gather3A_192 : vector<16xi32> to vector<32xbf16>
        %max3A_194 = arith.maximumf %bitcast3A_193, %bitcast3A_173 : vector<32xbf16>
        %bitcast3A_195 = vector.bitcast %max3A_194 : vector<32xbf16> to vector<16xi32>
        tpu.vector_store_idx %arg9[%get3A_169], %bitcast3A_195 masked %not3A_187 : memref<10000xi32, #tpu.memory_space<vmem>>[vector<16xi32>], vector<16xi32>, vector<16xi1>
        %ge3A_196 = arith.constant 3 : i32
        %ge3A_197 = vector.broadcast %ge3A_196 : i32 to vector<16xi32>
        %ge3A_198 = arith.cmpi sge, %unique3A_177, %ge3A_197 : vector<16xi32>
        %convert_element_type3A_199 = arith.extui %ge3A_198 : vector<16xi1> to vector<16xi32>
        %or3A_200 = arith.ori %or3A, %convert_element_type3A_199 : vector<16xi32>
        scf.yield %or3A_200 : vector<16xi32>
      }
      %scan3A_85 = arith.constant 250 : i32
      %ne3A = arith.constant 0 : i32
      %ne3A_86 = vector.broadcast %ne3A : i32 to vector<16xi32>
      %ne3A_87 = arith.cmpi ne, %scan3A_84, %ne3A_86 : vector<16xi32>
      %all_reduce_population_count3A = tpu.all_reduce %ne3A_87 {dim = 0 : i64, kind = #tpu.reduction_kind<sum>} : vector<16xi1> -> vector<16xi32>
      %slice3A = vector.extract_strided_slice %all_reduce_population_count3A {offsets = [0], sizes = [1], strides = [1]} : vector<16xi32> to vector<1xi32>
      %squeeze3A = vector.extract %slice3A[0] : i32 from vector<1xi32>
      %gt3A = arith.constant 0 : i32
      %gt3A_88 = arith.cmpi sgt, %squeeze3A, %gt3A : i32
      %convert_element_type3A = arith.extui %gt3A_88 : i1 to i32
      %cond3A = arith.constant 0 : i32
      %cond3A_89 = arith.cmpi ne, %convert_element_type3A, %cond3A : i32
      scf.if %cond3A_89 {
        %scan3A_131 = arith.constant 0 : i32
        %scan3A_132 = arith.constant 0 : i32
        %scan3A_133 = arith.constant 500 : i32
        %scan3A_134 = arith.addi %scan3A_132, %scan3A_133 : i32
        %scan3A_135 = arith.constant 1 : i32
        scf.for %scan3A_137 = %scan3A_132 to %scan3A_134 step %scan3A_135  : i32 {
          %mul3A_138 = arith.constant 16 : i32
          %mul3A_139 = arith.muli %scan3A_137, %mul3A_138 : i32
          %add3A_140 = arith.constant 0 : i32
          %add3A_141 = arith.addi %add3A_140, %mul3A_139 : i32
          %get3A = arith.index_cast %add3A_141 : i32 to index
          %get3A_142 = tpu.vector_load %arg10[%get3A] {strides = array<i32>} : memref<16000xi32, #tpu.memory_space<vmem>>, vector<16xi32>,
          %mul3A_143 = arith.constant 16 : i32
          %mul3A_144 = arith.muli %scan3A_137, %mul3A_143 : i32
          %add3A_145 = arith.constant 0 : i32
          %add3A_146 = arith.addi %add3A_145, %mul3A_144 : i32
          %get3A_147 = arith.index_cast %add3A_146 : i32 to index
          %get3A_148 = tpu.vector_load %arg11[%get3A_147] {strides = array<i32>} : memref<16000xi32, #tpu.memory_space<vmem>>, vector<16xi32>,
          %gather3A = tpu.vector_load_idx %arg6[%get3A_142] : memref<10000xi32, #tpu.memory_space<vmem>>[vector<16xi32>], vector<16xi32>,
          %bitcast3A = vector.bitcast %gather3A : vector<16xi32> to vector<32xbf16>
          %gather3A_149 = tpu.vector_load_idx %arg7[%get3A_142] : memref<10000xi32, #tpu.memory_space<vmem>>[vector<16xi32>], vector<16xi32>,
          %bitcast3A_150 = vector.bitcast %gather3A_149 : vector<16xi32> to vector<32xbf16>
          %gather3A_151 = tpu.vector_load_idx %arg8[%get3A_148] : memref<10000xi32, #tpu.memory_space<vmem>>[vector<16xi32>], vector<16xi32>,
          %bitcast3A_152 = vector.bitcast %gather3A_151 : vector<16xi32> to vector<32xbf16>
          %ge3A = arith.cmpf oge, %bitcast3A_152, %bitcast3A : vector<32xbf16>
          %jit3A = arith.constant 1.000000e+00 : bf16
          %jit3A_153 = arith.constant 0.000000e+00 : bf16
          %broadcast_in_dim3A_154 = vector.broadcast %jit3A : bf16 to vector<32xbf16>
          %broadcast_in_dim3A_155 = vector.broadcast %jit3A_153 : bf16 to vector<32xbf16>
          %select_n3A = arith.select %ge3A, %broadcast_in_dim3A_154, %broadcast_in_dim3A_155 : vector<32xi1>, vector<32xbf16>
          %bitcast3A_156 = vector.bitcast %select_n3A : vector<32xbf16> to vector<16xi32>
          %ne3A_157 = arith.constant 1065369472 : i32
          %ne3A_158 = vector.broadcast %ne3A_157 : i32 to vector<16xi32>
          %ne3A_159 = arith.cmpi ne, %bitcast3A_156, %ne3A_158 : vector<16xi32>
          %max3A = arith.maximumf %bitcast3A_152, %bitcast3A : vector<32xbf16>
          %bitcast3A_160 = vector.bitcast %max3A : vector<32xbf16> to vector<16xi32>
          tpu.vector_store_idx %arg8[%get3A_148], %bitcast3A_160 masked %ne3A_159 : memref<10000xi32, #tpu.memory_space<vmem>>[vector<16xi32>], vector<16xi32>, vector<16xi1>
          %gather3A_161 = tpu.vector_load_idx %arg9[%get3A_148] : memref<10000xi32, #tpu.memory_space<vmem>>[vector<16xi32>], vector<16xi32>,
          %bitcast3A_162 = vector.bitcast %gather3A_161 : vector<16xi32> to vector<32xbf16>
          %ge3A_163 = arith.cmpf oge, %bitcast3A_162, %bitcast3A_150 : vector<32xbf16>
          %jit3A_164 = arith.constant 1.000000e+00 : bf16
          %jit3A_165 = arith.constant 0.000000e+00 : bf16
          %broadcast_in_dim3A_166 = vector.broadcast %jit3A_164 : bf16 to vector<32xbf16>
          %broadcast_in_dim3A_167 = vector.broadcast %jit3A_165 : bf16 to vector<32xbf16>
          %select_n3A_168 = arith.select %ge3A_163, %broadcast_in_dim3A_166, %broadcast_in_dim3A_167 : vector<32xi1>, vector<32xbf16>
          %bitcast3A_169 = vector.bitcast %select_n3A_168 : vector<32xbf16> to vector<16xi32>
          %ne3A_170 = arith.constant 1065369472 : i32
          %ne3A_171 = vector.broadcast %ne3A_170 : i32 to vector<16xi32>
          %ne3A_172 = arith.cmpi ne, %bitcast3A_169, %ne3A_171 : vector<16xi32>
          %max3A_173 = arith.maximumf %bitcast3A_162, %bitcast3A_150 : vector<32xbf16>
          %bitcast3A_174 = vector.bitcast %max3A_173 : vector<32xbf16> to vector<16xi32>
          tpu.vector_store_idx %arg9[%get3A_148], %bitcast3A_174 masked %ne3A_172 : memref<10000xi32, #tpu.memory_space<vmem>>[vector<16xi32>], vector<16xi32>, vector<16xi1>
          %gather3A_175 = tpu.vector_load_idx %arg8[%get3A_148] : memref<10000xi32, #tpu.memory_space<vmem>>[vector<16xi32>], vector<16xi32>,
          %bitcast3A_176 = vector.bitcast %gather3A_175 : vector<16xi32> to vector<32xbf16>
          %ge3A_177 = arith.cmpf oge, %bitcast3A_176, %bitcast3A : vector<32xbf16>
          %jit3A_178 = arith.constant 1.000000e+00 : bf16
          %jit3A_179 = arith.constant 0.000000e+00 : bf16
          %broadcast_in_dim3A_180 = vector.broadcast %jit3A_178 : bf16 to vector<32xbf16>
          %broadcast_in_dim3A_181 = vector.broadcast %jit3A_179 : bf16 to vector<32xbf16>
          %select_n3A_182 = arith.select %ge3A_177, %broadcast_in_dim3A_180, %broadcast_in_dim3A_181 : vector<32xi1>, vector<32xbf16>
          %bitcast3A_183 = vector.bitcast %select_n3A_182 : vector<32xbf16> to vector<16xi32>
          %ne3A_184 = arith.constant 1065369472 : i32
          %ne3A_185 = vector.broadcast %ne3A_184 : i32 to vector<16xi32>
          %ne3A_186 = arith.cmpi ne, %bitcast3A_183, %ne3A_185 : vector<16xi32>
          %max3A_187 = arith.maximumf %bitcast3A_176, %bitcast3A : vector<32xbf16>
          %bitcast3A_188 = vector.bitcast %max3A_187 : vector<32xbf16> to vector<16xi32>
          tpu.vector_store_idx %arg8[%get3A_148], %bitcast3A_188 masked %ne3A_186 : memref<10000xi32, #tpu.memory_space<vmem>>[vector<16xi32>], vector<16xi32>, vector<16xi1>
          %gather3A_189 = tpu.vector_load_idx %arg9[%get3A_148] : memref<10000xi32, #tpu.memory_space<vmem>>[vector<16xi32>], vector<16xi32>,
          %bitcast3A_190 = vector.bitcast %gather3A_189 : vector<16xi32> to vector<32xbf16>
          %ge3A_191 = arith.cmpf oge, %bitcast3A_190, %bitcast3A_150 : vector<32xbf16>
          %jit3A_192 = arith.constant 1.000000e+00 : bf16
          %jit3A_193 = arith.constant 0.000000e+00 : bf16
          %broadcast_in_dim3A_194 = vector.broadcast %jit3A_192 : bf16 to vector<32xbf16>
          %broadcast_in_dim3A_195 = vector.broadcast %jit3A_193 : bf16 to vector<32xbf16>
          %select_n3A_196 = arith.select %ge3A_191, %broadcast_in_dim3A_194, %broadcast_in_dim3A_195 : vector<32xi1>, vector<32xbf16>
          %bitcast3A_197 = vector.bitcast %select_n3A_196 : vector<32xbf16> to vector<16xi32>
          %ne3A_198 = arith.constant 1065369472 : i32
          %ne3A_199 = vector.broadcast %ne3A_198 : i32 to vector<16xi32>
          %ne3A_200 = arith.cmpi ne, %bitcast3A_197, %ne3A_199 : vector<16xi32>
          %max3A_201 = arith.maximumf %bitcast3A_190, %bitcast3A_150 : vector<32xbf16>
          %bitcast3A_202 = vector.bitcast %max3A_201 : vector<32xbf16> to vector<16xi32>
          tpu.vector_store_idx %arg9[%get3A_148], %bitcast3A_202 masked %ne3A_200 : memref<10000xi32, #tpu.memory_space<vmem>>[vector<16xi32>], vector<16xi32>, vector<16xi1>
          %gather3A_203 = tpu.vector_load_idx %arg8[%get3A_148] : memref<10000xi32, #tpu.memory_space<vmem>>[vector<16xi32>], vector<16xi32>,
          %bitcast3A_204 = vector.bitcast %gather3A_203 : vector<16xi32> to vector<32xbf16>
          %ge3A_205 = arith.cmpf oge, %bitcast3A_204, %bitcast3A : vector<32xbf16>
          %jit3A_206 = arith.constant 1.000000e+00 : bf16
          %jit3A_207 = arith.constant 0.000000e+00 : bf16
          %broadcast_in_dim3A_208 = vector.broadcast %jit3A_206 : bf16 to vector<32xbf16>
          %broadcast_in_dim3A_209 = vector.broadcast %jit3A_207 : bf16 to vector<32xbf16>
          %select_n3A_210 = arith.select %ge3A_205, %broadcast_in_dim3A_208, %broadcast_in_dim3A_209 : vector<32xi1>, vector<32xbf16>
          %bitcast3A_211 = vector.bitcast %select_n3A_210 : vector<32xbf16> to vector<16xi32>
          %ne3A_212 = arith.constant 1065369472 : i32
          %ne3A_213 = vector.broadcast %ne3A_212 : i32 to vector<16xi32>
          %ne3A_214 = arith.cmpi ne, %bitcast3A_211, %ne3A_213 : vector<16xi32>
          %max3A_215 = arith.maximumf %bitcast3A_204, %bitcast3A : vector<32xbf16>
          %bitcast3A_216 = vector.bitcast %max3A_215 : vector<32xbf16> to vector<16xi32>
          tpu.vector_store_idx %arg8[%get3A_148], %bitcast3A_216 masked %ne3A_214 : memref<10000xi32, #tpu.memory_space<vmem>>[vector<16xi32>], vector<16xi32>, vector<16xi1>
          %gather3A_217 = tpu.vector_load_idx %arg9[%get3A_148] : memref<10000xi32, #tpu.memory_space<vmem>>[vector<16xi32>], vector<16xi32>,
          %bitcast3A_218 = vector.bitcast %gather3A_217 : vector<16xi32> to vector<32xbf16>
          %ge3A_219 = arith.cmpf oge, %bitcast3A_218, %bitcast3A_150 : vector<32xbf16>
          %jit3A_220 = arith.constant 1.000000e+00 : bf16
          %jit3A_221 = arith.constant 0.000000e+00 : bf16
          %broadcast_in_dim3A_222 = vector.broadcast %jit3A_220 : bf16 to vector<32xbf16>
          %broadcast_in_dim3A_223 = vector.broadcast %jit3A_221 : bf16 to vector<32xbf16>
          %select_n3A_224 = arith.select %ge3A_219, %broadcast_in_dim3A_222, %broadcast_in_dim3A_223 : vector<32xi1>, vector<32xbf16>
          %bitcast3A_225 = vector.bitcast %select_n3A_224 : vector<32xbf16> to vector<16xi32>
          %ne3A_226 = arith.constant 1065369472 : i32
          %ne3A_227 = vector.broadcast %ne3A_226 : i32 to vector<16xi32>
          %ne3A_228 = arith.cmpi ne, %bitcast3A_225, %ne3A_227 : vector<16xi32>
          %max3A_229 = arith.maximumf %bitcast3A_218, %bitcast3A_150 : vector<32xbf16>
          %bitcast3A_230 = vector.bitcast %max3A_229 : vector<32xbf16> to vector<16xi32>
          tpu.vector_store_idx %arg9[%get3A_148], %bitcast3A_230 masked %ne3A_228 : memref<10000xi32, #tpu.memory_space<vmem>>[vector<16xi32>], vector<16xi32>, vector<16xi1>
          %gather3A_231 = tpu.vector_load_idx %arg8[%get3A_148] : memref<10000xi32, #tpu.memory_space<vmem>>[vector<16xi32>], vector<16xi32>,
          %bitcast3A_232 = vector.bitcast %gather3A_231 : vector<16xi32> to vector<32xbf16>
          %ge3A_233 = arith.cmpf oge, %bitcast3A_232, %bitcast3A : vector<32xbf16>
          %jit3A_234 = arith.constant 1.000000e+00 : bf16
          %jit3A_235 = arith.constant 0.000000e+00 : bf16
          %broadcast_in_dim3A_236 = vector.broadcast %jit3A_234 : bf16 to vector<32xbf16>
          %broadcast_in_dim3A_237 = vector.broadcast %jit3A_235 : bf16 to vector<32xbf16>
          %select_n3A_238 = arith.select %ge3A_233, %broadcast_in_dim3A_236, %broadcast_in_dim3A_237 : vector<32xi1>, vector<32xbf16>
          %bitcast3A_239 = vector.bitcast %select_n3A_238 : vector<32xbf16> to vector<16xi32>
          %ne3A_240 = arith.constant 1065369472 : i32
          %ne3A_241 = vector.broadcast %ne3A_240 : i32 to vector<16xi32>
          %ne3A_242 = arith.cmpi ne, %bitcast3A_239, %ne3A_241 : vector<16xi32>
          %max3A_243 = arith.maximumf %bitcast3A_232, %bitcast3A : vector<32xbf16>
          %bitcast3A_244 = vector.bitcast %max3A_243 : vector<32xbf16> to vector<16xi32>
          tpu.vector_store_idx %arg8[%get3A_148], %bitcast3A_244 masked %ne3A_242 : memref<10000xi32, #tpu.memory_space<vmem>>[vector<16xi32>], vector<16xi32>, vector<16xi1>
          %gather3A_245 = tpu.vector_load_idx %arg9[%get3A_148] : memref<10000xi32, #tpu.memory_space<vmem>>[vector<16xi32>], vector<16xi32>,
          %bitcast3A_246 = vector.bitcast %gather3A_245 : vector<16xi32> to vector<32xbf16>
          %ge3A_247 = arith.cmpf oge, %bitcast3A_246, %bitcast3A_150 : vector<32xbf16>
          %jit3A_248 = arith.constant 1.000000e+00 : bf16
          %jit3A_249 = arith.constant 0.000000e+00 : bf16
          %broadcast_in_dim3A_250 = vector.broadcast %jit3A_248 : bf16 to vector<32xbf16>
          %broadcast_in_dim3A_251 = vector.broadcast %jit3A_249 : bf16 to vector<32xbf16>
          %select_n3A_252 = arith.select %ge3A_247, %broadcast_in_dim3A_250, %broadcast_in_dim3A_251 : vector<32xi1>, vector<32xbf16>
          %bitcast3A_253 = vector.bitcast %select_n3A_252 : vector<32xbf16> to vector<16xi32>
          %ne3A_254 = arith.constant 1065369472 : i32
          %ne3A_255 = vector.broadcast %ne3A_254 : i32 to vector<16xi32>
          %ne3A_256 = arith.cmpi ne, %bitcast3A_253, %ne3A_255 : vector<16xi32>
          %max3A_257 = arith.maximumf %bitcast3A_246, %bitcast3A_150 : vector<32xbf16>
          %bitcast3A_258 = vector.bitcast %max3A_257 : vector<32xbf16> to vector<16xi32>
          tpu.vector_store_idx %arg9[%get3A_148], %bitcast3A_258 masked %ne3A_256 : memref<10000xi32, #tpu.memory_space<vmem>>[vector<16xi32>], vector<16xi32>, vector<16xi1>
          %gather3A_259 = tpu.vector_load_idx %arg8[%get3A_148] : memref<10000xi32, #tpu.memory_space<vmem>>[vector<16xi32>], vector<16xi32>,
          %bitcast3A_260 = vector.bitcast %gather3A_259 : vector<16xi32> to vector<32xbf16>
          %ge3A_261 = arith.cmpf oge, %bitcast3A_260, %bitcast3A : vector<32xbf16>
          %jit3A_262 = arith.constant 1.000000e+00 : bf16
          %jit3A_263 = arith.constant 0.000000e+00 : bf16
          %broadcast_in_dim3A_264 = vector.broadcast %jit3A_262 : bf16 to vector<32xbf16>
          %broadcast_in_dim3A_265 = vector.broadcast %jit3A_263 : bf16 to vector<32xbf16>
          %select_n3A_266 = arith.select %ge3A_261, %broadcast_in_dim3A_264, %broadcast_in_dim3A_265 : vector<32xi1>, vector<32xbf16>
          %bitcast3A_267 = vector.bitcast %select_n3A_266 : vector<32xbf16> to vector<16xi32>
          %ne3A_268 = arith.constant 1065369472 : i32
          %ne3A_269 = vector.broadcast %ne3A_268 : i32 to vector<16xi32>
          %ne3A_270 = arith.cmpi ne, %bitcast3A_267, %ne3A_269 : vector<16xi32>
          %max3A_271 = arith.maximumf %bitcast3A_260, %bitcast3A : vector<32xbf16>
          %bitcast3A_272 = vector.bitcast %max3A_271 : vector<32xbf16> to vector<16xi32>
          tpu.vector_store_idx %arg8[%get3A_148], %bitcast3A_272 masked %ne3A_270 : memref<10000xi32, #tpu.memory_space<vmem>>[vector<16xi32>], vector<16xi32>, vector<16xi1>
          %gather3A_273 = tpu.vector_load_idx %arg9[%get3A_148] : memref<10000xi32, #tpu.memory_space<vmem>>[vector<16xi32>], vector<16xi32>,
          %bitcast3A_274 = vector.bitcast %gather3A_273 : vector<16xi32> to vector<32xbf16>
          %ge3A_275 = arith.cmpf oge, %bitcast3A_274, %bitcast3A_150 : vector<32xbf16>
          %jit3A_276 = arith.constant 1.000000e+00 : bf16
          %jit3A_277 = arith.constant 0.000000e+00 : bf16
          %broadcast_in_dim3A_278 = vector.broadcast %jit3A_276 : bf16 to vector<32xbf16>
          %broadcast_in_dim3A_279 = vector.broadcast %jit3A_277 : bf16 to vector<32xbf16>
          %select_n3A_280 = arith.select %ge3A_275, %broadcast_in_dim3A_278, %broadcast_in_dim3A_279 : vector<32xi1>, vector<32xbf16>
          %bitcast3A_281 = vector.bitcast %select_n3A_280 : vector<32xbf16> to vector<16xi32>
          %ne3A_282 = arith.constant 1065369472 : i32
          %ne3A_283 = vector.broadcast %ne3A_282 : i32 to vector<16xi32>
          %ne3A_284 = arith.cmpi ne, %bitcast3A_281, %ne3A_283 : vector<16xi32>
          %max3A_285 = arith.maximumf %bitcast3A_274, %bitcast3A_150 : vector<32xbf16>
          %bitcast3A_286 = vector.bitcast %max3A_285 : vector<32xbf16> to vector<16xi32>
          tpu.vector_store_idx %arg9[%get3A_148], %bitcast3A_286 masked %ne3A_284 : memref<10000xi32, #tpu.memory_space<vmem>>[vector<16xi32>], vector<16xi32>, vector<16xi1>
          %gather3A_287 = tpu.vector_load_idx %arg8[%get3A_148] : memref<10000xi32, #tpu.memory_space<vmem>>[vector<16xi32>], vector<16xi32>,
          %bitcast3A_288 = vector.bitcast %gather3A_287 : vector<16xi32> to vector<32xbf16>
          %ge3A_289 = arith.cmpf oge, %bitcast3A_288, %bitcast3A : vector<32xbf16>
          %jit3A_290 = arith.constant 1.000000e+00 : bf16
          %jit3A_291 = arith.constant 0.000000e+00 : bf16
          %broadcast_in_dim3A_292 = vector.broadcast %jit3A_290 : bf16 to vector<32xbf16>
          %broadcast_in_dim3A_293 = vector.broadcast %jit3A_291 : bf16 to vector<32xbf16>
          %select_n3A_294 = arith.select %ge3A_289, %broadcast_in_dim3A_292, %broadcast_in_dim3A_293 : vector<32xi1>, vector<32xbf16>
          %bitcast3A_295 = vector.bitcast %select_n3A_294 : vector<32xbf16> to vector<16xi32>
          %ne3A_296 = arith.constant 1065369472 : i32
          %ne3A_297 = vector.broadcast %ne3A_296 : i32 to vector<16xi32>
          %ne3A_298 = arith.cmpi ne, %bitcast3A_295, %ne3A_297 : vector<16xi32>
          %max3A_299 = arith.maximumf %bitcast3A_288, %bitcast3A : vector<32xbf16>
          %bitcast3A_300 = vector.bitcast %max3A_299 : vector<32xbf16> to vector<16xi32>
          tpu.vector_store_idx %arg8[%get3A_148], %bitcast3A_300 masked %ne3A_298 : memref<10000xi32, #tpu.memory_space<vmem>>[vector<16xi32>], vector<16xi32>, vector<16xi1>
          %gather3A_301 = tpu.vector_load_idx %arg9[%get3A_148] : memref<10000xi32, #tpu.memory_space<vmem>>[vector<16xi32>], vector<16xi32>,
          %bitcast3A_302 = vector.bitcast %gather3A_301 : vector<16xi32> to vector<32xbf16>
          %ge3A_303 = arith.cmpf oge, %bitcast3A_302, %bitcast3A_150 : vector<32xbf16>
          %jit3A_304 = arith.constant 1.000000e+00 : bf16
          %jit3A_305 = arith.constant 0.000000e+00 : bf16
          %broadcast_in_dim3A_306 = vector.broadcast %jit3A_304 : bf16 to vector<32xbf16>
          %broadcast_in_dim3A_307 = vector.broadcast %jit3A_305 : bf16 to vector<32xbf16>
          %select_n3A_308 = arith.select %ge3A_303, %broadcast_in_dim3A_306, %broadcast_in_dim3A_307 : vector<32xi1>, vector<32xbf16>
          %bitcast3A_309 = vector.bitcast %select_n3A_308 : vector<32xbf16> to vector<16xi32>
          %ne3A_310 = arith.constant 1065369472 : i32
          %ne3A_311 = vector.broadcast %ne3A_310 : i32 to vector<16xi32>
          %ne3A_312 = arith.cmpi ne, %bitcast3A_309, %ne3A_311 : vector<16xi32>
          %max3A_313 = arith.maximumf %bitcast3A_302, %bitcast3A_150 : vector<32xbf16>
          %bitcast3A_314 = vector.bitcast %max3A_313 : vector<32xbf16> to vector<16xi32>
          tpu.vector_store_idx %arg9[%get3A_148], %bitcast3A_314 masked %ne3A_312 : memref<10000xi32, #tpu.memory_space<vmem>>[vector<16xi32>], vector<16xi32>, vector<16xi1>
          %gather3A_315 = tpu.vector_load_idx %arg8[%get3A_148] : memref<10000xi32, #tpu.memory_space<vmem>>[vector<16xi32>], vector<16xi32>,
          %bitcast3A_316 = vector.bitcast %gather3A_315 : vector<16xi32> to vector<32xbf16>
          %ge3A_317 = arith.cmpf oge, %bitcast3A_316, %bitcast3A : vector<32xbf16>
          %jit3A_318 = arith.constant 1.000000e+00 : bf16
          %jit3A_319 = arith.constant 0.000000e+00 : bf16
          %broadcast_in_dim3A_320 = vector.broadcast %jit3A_318 : bf16 to vector<32xbf16>
          %broadcast_in_dim3A_321 = vector.broadcast %jit3A_319 : bf16 to vector<32xbf16>
          %select_n3A_322 = arith.select %ge3A_317, %broadcast_in_dim3A_320, %broadcast_in_dim3A_321 : vector<32xi1>, vector<32xbf16>
          %bitcast3A_323 = vector.bitcast %select_n3A_322 : vector<32xbf16> to vector<16xi32>
          %ne3A_324 = arith.constant 1065369472 : i32
          %ne3A_325 = vector.broadcast %ne3A_324 : i32 to vector<16xi32>
          %ne3A_326 = arith.cmpi ne, %bitcast3A_323, %ne3A_325 : vector<16xi32>
          %max3A_327 = arith.maximumf %bitcast3A_316, %bitcast3A : vector<32xbf16>
          %bitcast3A_328 = vector.bitcast %max3A_327 : vector<32xbf16> to vector<16xi32>
          tpu.vector_store_idx %arg8[%get3A_148], %bitcast3A_328 masked %ne3A_326 : memref<10000xi32, #tpu.memory_space<vmem>>[vector<16xi32>], vector<16xi32>, vector<16xi1>
          %gather3A_329 = tpu.vector_load_idx %arg9[%get3A_148] : memref<10000xi32, #tpu.memory_space<vmem>>[vector<16xi32>], vector<16xi32>,
          %bitcast3A_330 = vector.bitcast %gather3A_329 : vector<16xi32> to vector<32xbf16>
          %ge3A_331 = arith.cmpf oge, %bitcast3A_330, %bitcast3A_150 : vector<32xbf16>
          %jit3A_332 = arith.constant 1.000000e+00 : bf16
          %jit3A_333 = arith.constant 0.000000e+00 : bf16
          %broadcast_in_dim3A_334 = vector.broadcast %jit3A_332 : bf16 to vector<32xbf16>
          %broadcast_in_dim3A_335 = vector.broadcast %jit3A_333 : bf16 to vector<32xbf16>
          %select_n3A_336 = arith.select %ge3A_331, %broadcast_in_dim3A_334, %broadcast_in_dim3A_335 : vector<32xi1>, vector<32xbf16>
          %bitcast3A_337 = vector.bitcast %select_n3A_336 : vector<32xbf16> to vector<16xi32>
          %ne3A_338 = arith.constant 1065369472 : i32
          %ne3A_339 = vector.broadcast %ne3A_338 : i32 to vector<16xi32>
          %ne3A_340 = arith.cmpi ne, %bitcast3A_337, %ne3A_339 : vector<16xi32>
          %max3A_341 = arith.maximumf %bitcast3A_330, %bitcast3A_150 : vector<32xbf16>
          %bitcast3A_342 = vector.bitcast %max3A_341 : vector<32xbf16> to vector<16xi32>
          tpu.vector_store_idx %arg9[%get3A_148], %bitcast3A_342 masked %ne3A_340 : memref<10000xi32, #tpu.memory_space<vmem>>[vector<16xi32>], vector<16xi32>, vector<16xi1>
          %gather3A_343 = tpu.vector_load_idx %arg8[%get3A_148] : memref<10000xi32, #tpu.memory_space<vmem>>[vector<16xi32>], vector<16xi32>,
          %bitcast3A_344 = vector.bitcast %gather3A_343 : vector<16xi32> to vector<32xbf16>
          %ge3A_345 = arith.cmpf oge, %bitcast3A_344, %bitcast3A : vector<32xbf16>
          %jit3A_346 = arith.constant 1.000000e+00 : bf16
          %jit3A_347 = arith.constant 0.000000e+00 : bf16
          %broadcast_in_dim3A_348 = vector.broadcast %jit3A_346 : bf16 to vector<32xbf16>
          %broadcast_in_dim3A_349 = vector.broadcast %jit3A_347 : bf16 to vector<32xbf16>
          %select_n3A_350 = arith.select %ge3A_345, %broadcast_in_dim3A_348, %broadcast_in_dim3A_349 : vector<32xi1>, vector<32xbf16>
          %bitcast3A_351 = vector.bitcast %select_n3A_350 : vector<32xbf16> to vector<16xi32>
          %ne3A_352 = arith.constant 1065369472 : i32
          %ne3A_353 = vector.broadcast %ne3A_352 : i32 to vector<16xi32>
          %ne3A_354 = arith.cmpi ne, %bitcast3A_351, %ne3A_353 : vector<16xi32>
          %max3A_355 = arith.maximumf %bitcast3A_344, %bitcast3A : vector<32xbf16>
          %bitcast3A_356 = vector.bitcast %max3A_355 : vector<32xbf16> to vector<16xi32>
          tpu.vector_store_idx %arg8[%get3A_148], %bitcast3A_356 masked %ne3A_354 : memref<10000xi32, #tpu.memory_space<vmem>>[vector<16xi32>], vector<16xi32>, vector<16xi1>
          %gather3A_357 = tpu.vector_load_idx %arg9[%get3A_148] : memref<10000xi32, #tpu.memory_space<vmem>>[vector<16xi32>], vector<16xi32>,
          %bitcast3A_358 = vector.bitcast %gather3A_357 : vector<16xi32> to vector<32xbf16>
          %ge3A_359 = arith.cmpf oge, %bitcast3A_358, %bitcast3A_150 : vector<32xbf16>
          %jit3A_360 = arith.constant 1.000000e+00 : bf16
          %jit3A_361 = arith.constant 0.000000e+00 : bf16
          %broadcast_in_dim3A_362 = vector.broadcast %jit3A_360 : bf16 to vector<32xbf16>
          %broadcast_in_dim3A_363 = vector.broadcast %jit3A_361 : bf16 to vector<32xbf16>
          %select_n3A_364 = arith.select %ge3A_359, %broadcast_in_dim3A_362, %broadcast_in_dim3A_363 : vector<32xi1>, vector<32xbf16>
          %bitcast3A_365 = vector.bitcast %select_n3A_364 : vector<32xbf16> to vector<16xi32>
          %ne3A_366 = arith.constant 1065369472 : i32
          %ne3A_367 = vector.broadcast %ne3A_366 : i32 to vector<16xi32>
          %ne3A_368 = arith.cmpi ne, %bitcast3A_365, %ne3A_367 : vector<16xi32>
          %max3A_369 = arith.maximumf %bitcast3A_358, %bitcast3A_150 : vector<32xbf16>
          %bitcast3A_370 = vector.bitcast %max3A_369 : vector<32xbf16> to vector<16xi32>
          tpu.vector_store_idx %arg9[%get3A_148], %bitcast3A_370 masked %ne3A_368 : memref<10000xi32, #tpu.memory_space<vmem>>[vector<16xi32>], vector<16xi32>, vector<16xi1>
          %gather3A_371 = tpu.vector_load_idx %arg8[%get3A_148] : memref<10000xi32, #tpu.memory_space<vmem>>[vector<16xi32>], vector<16xi32>,
          %bitcast3A_372 = vector.bitcast %gather3A_371 : vector<16xi32> to vector<32xbf16>
          %ge3A_373 = arith.cmpf oge, %bitcast3A_372, %bitcast3A : vector<32xbf16>
          %jit3A_374 = arith.constant 1.000000e+00 : bf16
          %jit3A_375 = arith.constant 0.000000e+00 : bf16
          %broadcast_in_dim3A_376 = vector.broadcast %jit3A_374 : bf16 to vector<32xbf16>
          %broadcast_in_dim3A_377 = vector.broadcast %jit3A_375 : bf16 to vector<32xbf16>
          %select_n3A_378 = arith.select %ge3A_373, %broadcast_in_dim3A_376, %broadcast_in_dim3A_377 : vector<32xi1>, vector<32xbf16>
          %bitcast3A_379 = vector.bitcast %select_n3A_378 : vector<32xbf16> to vector<16xi32>
          %ne3A_380 = arith.constant 1065369472 : i32
          %ne3A_381 = vector.broadcast %ne3A_380 : i32 to vector<16xi32>
          %ne3A_382 = arith.cmpi ne, %bitcast3A_379, %ne3A_381 : vector<16xi32>
          %max3A_383 = arith.maximumf %bitcast3A_372, %bitcast3A : vector<32xbf16>
          %bitcast3A_384 = vector.bitcast %max3A_383 : vector<32xbf16> to vector<16xi32>
          tpu.vector_store_idx %arg8[%get3A_148], %bitcast3A_384 masked %ne3A_382 : memref<10000xi32, #tpu.memory_space<vmem>>[vector<16xi32>], vector<16xi32>, vector<16xi1>
          %gather3A_385 = tpu.vector_load_idx %arg9[%get3A_148] : memref<10000xi32, #tpu.memory_space<vmem>>[vector<16xi32>], vector<16xi32>,
          %bitcast3A_386 = vector.bitcast %gather3A_385 : vector<16xi32> to vector<32xbf16>
          %ge3A_387 = arith.cmpf oge, %bitcast3A_386, %bitcast3A_150 : vector<32xbf16>
          %jit3A_388 = arith.constant 1.000000e+00 : bf16
          %jit3A_389 = arith.constant 0.000000e+00 : bf16
          %broadcast_in_dim3A_390 = vector.broadcast %jit3A_388 : bf16 to vector<32xbf16>
          %broadcast_in_dim3A_391 = vector.broadcast %jit3A_389 : bf16 to vector<32xbf16>
          %select_n3A_392 = arith.select %ge3A_387, %broadcast_in_dim3A_390, %broadcast_in_dim3A_391 : vector<32xi1>, vector<32xbf16>
          %bitcast3A_393 = vector.bitcast %select_n3A_392 : vector<32xbf16> to vector<16xi32>
          %ne3A_394 = arith.constant 1065369472 : i32
          %ne3A_395 = vector.broadcast %ne3A_394 : i32 to vector<16xi32>
          %ne3A_396 = arith.cmpi ne, %bitcast3A_393, %ne3A_395 : vector<16xi32>
          %max3A_397 = arith.maximumf %bitcast3A_386, %bitcast3A_150 : vector<32xbf16>
          %bitcast3A_398 = vector.bitcast %max3A_397 : vector<32xbf16> to vector<16xi32>
          tpu.vector_store_idx %arg9[%get3A_148], %bitcast3A_398 masked %ne3A_396 : memref<10000xi32, #tpu.memory_space<vmem>>[vector<16xi32>], vector<16xi32>, vector<16xi1>
          %gather3A_399 = tpu.vector_load_idx %arg8[%get3A_148] : memref<10000xi32, #tpu.memory_space<vmem>>[vector<16xi32>], vector<16xi32>,
          %bitcast3A_400 = vector.bitcast %gather3A_399 : vector<16xi32> to vector<32xbf16>
          %ge3A_401 = arith.cmpf oge, %bitcast3A_400, %bitcast3A : vector<32xbf16>
          %jit3A_402 = arith.constant 1.000000e+00 : bf16
          %jit3A_403 = arith.constant 0.000000e+00 : bf16
          %broadcast_in_dim3A_404 = vector.broadcast %jit3A_402 : bf16 to vector<32xbf16>
          %broadcast_in_dim3A_405 = vector.broadcast %jit3A_403 : bf16 to vector<32xbf16>
          %select_n3A_406 = arith.select %ge3A_401, %broadcast_in_dim3A_404, %broadcast_in_dim3A_405 : vector<32xi1>, vector<32xbf16>
          %bitcast3A_407 = vector.bitcast %select_n3A_406 : vector<32xbf16> to vector<16xi32>
          %ne3A_408 = arith.constant 1065369472 : i32
          %ne3A_409 = vector.broadcast %ne3A_408 : i32 to vector<16xi32>
          %ne3A_410 = arith.cmpi ne, %bitcast3A_407, %ne3A_409 : vector<16xi32>
          %max3A_411 = arith.maximumf %bitcast3A_400, %bitcast3A : vector<32xbf16>
          %bitcast3A_412 = vector.bitcast %max3A_411 : vector<32xbf16> to vector<16xi32>
          tpu.vector_store_idx %arg8[%get3A_148], %bitcast3A_412 masked %ne3A_410 : memref<10000xi32, #tpu.memory_space<vmem>>[vector<16xi32>], vector<16xi32>, vector<16xi1>
          %gather3A_413 = tpu.vector_load_idx %arg9[%get3A_148] : memref<10000xi32, #tpu.memory_space<vmem>>[vector<16xi32>], vector<16xi32>,
          %bitcast3A_414 = vector.bitcast %gather3A_413 : vector<16xi32> to vector<32xbf16>
          %ge3A_415 = arith.cmpf oge, %bitcast3A_414, %bitcast3A_150 : vector<32xbf16>
          %jit3A_416 = arith.constant 1.000000e+00 : bf16
          %jit3A_417 = arith.constant 0.000000e+00 : bf16
          %broadcast_in_dim3A_418 = vector.broadcast %jit3A_416 : bf16 to vector<32xbf16>
          %broadcast_in_dim3A_419 = vector.broadcast %jit3A_417 : bf16 to vector<32xbf16>
          %select_n3A_420 = arith.select %ge3A_415, %broadcast_in_dim3A_418, %broadcast_in_dim3A_419 : vector<32xi1>, vector<32xbf16>
          %bitcast3A_421 = vector.bitcast %select_n3A_420 : vector<32xbf16> to vector<16xi32>
          %ne3A_422 = arith.constant 1065369472 : i32
          %ne3A_423 = vector.broadcast %ne3A_422 : i32 to vector<16xi32>
          %ne3A_424 = arith.cmpi ne, %bitcast3A_421, %ne3A_423 : vector<16xi32>
          %max3A_425 = arith.maximumf %bitcast3A_414, %bitcast3A_150 : vector<32xbf16>
          %bitcast3A_426 = vector.bitcast %max3A_425 : vector<32xbf16> to vector<16xi32>
          tpu.vector_store_idx %arg9[%get3A_148], %bitcast3A_426 masked %ne3A_424 : memref<10000xi32, #tpu.memory_space<vmem>>[vector<16xi32>], vector<16xi32>, vector<16xi1>
          %gather3A_427 = tpu.vector_load_idx %arg8[%get3A_148] : memref<10000xi32, #tpu.memory_space<vmem>>[vector<16xi32>], vector<16xi32>,
          %bitcast3A_428 = vector.bitcast %gather3A_427 : vector<16xi32> to vector<32xbf16>
          %ge3A_429 = arith.cmpf oge, %bitcast3A_428, %bitcast3A : vector<32xbf16>
          %jit3A_430 = arith.constant 1.000000e+00 : bf16
          %jit3A_431 = arith.constant 0.000000e+00 : bf16
          %broadcast_in_dim3A_432 = vector.broadcast %jit3A_430 : bf16 to vector<32xbf16>
          %broadcast_in_dim3A_433 = vector.broadcast %jit3A_431 : bf16 to vector<32xbf16>
          %select_n3A_434 = arith.select %ge3A_429, %broadcast_in_dim3A_432, %broadcast_in_dim3A_433 : vector<32xi1>, vector<32xbf16>
          %bitcast3A_435 = vector.bitcast %select_n3A_434 : vector<32xbf16> to vector<16xi32>
          %ne3A_436 = arith.constant 1065369472 : i32
          %ne3A_437 = vector.broadcast %ne3A_436 : i32 to vector<16xi32>
          %ne3A_438 = arith.cmpi ne, %bitcast3A_435, %ne3A_437 : vector<16xi32>
          %max3A_439 = arith.maximumf %bitcast3A_428, %bitcast3A : vector<32xbf16>
          %bitcast3A_440 = vector.bitcast %max3A_439 : vector<32xbf16> to vector<16xi32>
          tpu.vector_store_idx %arg8[%get3A_148], %bitcast3A_440 masked %ne3A_438 : memref<10000xi32, #tpu.memory_space<vmem>>[vector<16xi32>], vector<16xi32>, vector<16xi1>
          %gather3A_441 = tpu.vector_load_idx %arg9[%get3A_148] : memref<10000xi32, #tpu.memory_space<vmem>>[vector<16xi32>], vector<16xi32>,
          %bitcast3A_442 = vector.bitcast %gather3A_441 : vector<16xi32> to vector<32xbf16>
          %ge3A_443 = arith.cmpf oge, %bitcast3A_442, %bitcast3A_150 : vector<32xbf16>
          %jit3A_444 = arith.constant 1.000000e+00 : bf16
          %jit3A_445 = arith.constant 0.000000e+00 : bf16
          %broadcast_in_dim3A_446 = vector.broadcast %jit3A_444 : bf16 to vector<32xbf16>
          %broadcast_in_dim3A_447 = vector.broadcast %jit3A_445 : bf16 to vector<32xbf16>
          %select_n3A_448 = arith.select %ge3A_443, %broadcast_in_dim3A_446, %broadcast_in_dim3A_447 : vector<32xi1>, vector<32xbf16>
          %bitcast3A_449 = vector.bitcast %select_n3A_448 : vector<32xbf16> to vector<16xi32>
          %ne3A_450 = arith.constant 1065369472 : i32
          %ne3A_451 = vector.broadcast %ne3A_450 : i32 to vector<16xi32>
          %ne3A_452 = arith.cmpi ne, %bitcast3A_449, %ne3A_451 : vector<16xi32>
          %max3A_453 = arith.maximumf %bitcast3A_442, %bitcast3A_150 : vector<32xbf16>
          %bitcast3A_454 = vector.bitcast %max3A_453 : vector<32xbf16> to vector<16xi32>
          tpu.vector_store_idx %arg9[%get3A_148], %bitcast3A_454 masked %ne3A_452 : memref<10000xi32, #tpu.memory_space<vmem>>[vector<16xi32>], vector<16xi32>, vector<16xi1>
          %gather3A_455 = tpu.vector_load_idx %arg8[%get3A_148] : memref<10000xi32, #tpu.memory_space<vmem>>[vector<16xi32>], vector<16xi32>,
          %bitcast3A_456 = vector.bitcast %gather3A_455 : vector<16xi32> to vector<32xbf16>
          %ge3A_457 = arith.cmpf oge, %bitcast3A_456, %bitcast3A : vector<32xbf16>
          %jit3A_458 = arith.constant 1.000000e+00 : bf16
          %jit3A_459 = arith.constant 0.000000e+00 : bf16
          %broadcast_in_dim3A_460 = vector.broadcast %jit3A_458 : bf16 to vector<32xbf16>
          %broadcast_in_dim3A_461 = vector.broadcast %jit3A_459 : bf16 to vector<32xbf16>
          %select_n3A_462 = arith.select %ge3A_457, %broadcast_in_dim3A_460, %broadcast_in_dim3A_461 : vector<32xi1>, vector<32xbf16>
          %bitcast3A_463 = vector.bitcast %select_n3A_462 : vector<32xbf16> to vector<16xi32>
          %ne3A_464 = arith.constant 1065369472 : i32
          %ne3A_465 = vector.broadcast %ne3A_464 : i32 to vector<16xi32>
          %ne3A_466 = arith.cmpi ne, %bitcast3A_463, %ne3A_465 : vector<16xi32>
          %max3A_467 = arith.maximumf %bitcast3A_456, %bitcast3A : vector<32xbf16>
          %bitcast3A_468 = vector.bitcast %max3A_467 : vector<32xbf16> to vector<16xi32>
          tpu.vector_store_idx %arg8[%get3A_148], %bitcast3A_468 masked %ne3A_466 : memref<10000xi32, #tpu.memory_space<vmem>>[vector<16xi32>], vector<16xi32>, vector<16xi1>
          %gather3A_469 = tpu.vector_load_idx %arg9[%get3A_148] : memref<10000xi32, #tpu.memory_space<vmem>>[vector<16xi32>], vector<16xi32>,
          %bitcast3A_470 = vector.bitcast %gather3A_469 : vector<16xi32> to vector<32xbf16>
          %ge3A_471 = arith.cmpf oge, %bitcast3A_470, %bitcast3A_150 : vector<32xbf16>
          %jit3A_472 = arith.constant 1.000000e+00 : bf16
          %jit3A_473 = arith.constant 0.000000e+00 : bf16
          %broadcast_in_dim3A_474 = vector.broadcast %jit3A_472 : bf16 to vector<32xbf16>
          %broadcast_in_dim3A_475 = vector.broadcast %jit3A_473 : bf16 to vector<32xbf16>
          %select_n3A_476 = arith.select %ge3A_471, %broadcast_in_dim3A_474, %broadcast_in_dim3A_475 : vector<32xi1>, vector<32xbf16>
          %bitcast3A_477 = vector.bitcast %select_n3A_476 : vector<32xbf16> to vector<16xi32>
          %ne3A_478 = arith.constant 1065369472 : i32
          %ne3A_479 = vector.broadcast %ne3A_478 : i32 to vector<16xi32>
          %ne3A_480 = arith.cmpi ne, %bitcast3A_477, %ne3A_479 : vector<16xi32>
          %max3A_481 = arith.maximumf %bitcast3A_470, %bitcast3A_150 : vector<32xbf16>
          %bitcast3A_482 = vector.bitcast %max3A_481 : vector<32xbf16> to vector<16xi32>
          tpu.vector_store_idx %arg9[%get3A_148], %bitcast3A_482 masked %ne3A_480 : memref<10000xi32, #tpu.memory_space<vmem>>[vector<16xi32>], vector<16xi32>, vector<16xi1>
          %gather3A_483 = tpu.vector_load_idx %arg8[%get3A_148] : memref<10000xi32, #tpu.memory_space<vmem>>[vector<16xi32>], vector<16xi32>,
          %bitcast3A_484 = vector.bitcast %gather3A_483 : vector<16xi32> to vector<32xbf16>
          %ge3A_485 = arith.cmpf oge, %bitcast3A_484, %bitcast3A : vector<32xbf16>
          %jit3A_486 = arith.constant 1.000000e+00 : bf16
          %jit3A_487 = arith.constant 0.000000e+00 : bf16
          %broadcast_in_dim3A_488 = vector.broadcast %jit3A_486 : bf16 to vector<32xbf16>
          %broadcast_in_dim3A_489 = vector.broadcast %jit3A_487 : bf16 to vector<32xbf16>
          %select_n3A_490 = arith.select %ge3A_485, %broadcast_in_dim3A_488, %broadcast_in_dim3A_489 : vector<32xi1>, vector<32xbf16>
          %bitcast3A_491 = vector.bitcast %select_n3A_490 : vector<32xbf16> to vector<16xi32>
          %ne3A_492 = arith.constant 1065369472 : i32
          %ne3A_493 = vector.broadcast %ne3A_492 : i32 to vector<16xi32>
          %ne3A_494 = arith.cmpi ne, %bitcast3A_491, %ne3A_493 : vector<16xi32>
          %max3A_495 = arith.maximumf %bitcast3A_484, %bitcast3A : vector<32xbf16>
          %bitcast3A_496 = vector.bitcast %max3A_495 : vector<32xbf16> to vector<16xi32>
          tpu.vector_store_idx %arg8[%get3A_148], %bitcast3A_496 masked %ne3A_494 : memref<10000xi32, #tpu.memory_space<vmem>>[vector<16xi32>], vector<16xi32>, vector<16xi1>
          %gather3A_497 = tpu.vector_load_idx %arg9[%get3A_148] : memref<10000xi32, #tpu.memory_space<vmem>>[vector<16xi32>], vector<16xi32>,
          %bitcast3A_498 = vector.bitcast %gather3A_497 : vector<16xi32> to vector<32xbf16>
          %ge3A_499 = arith.cmpf oge, %bitcast3A_498, %bitcast3A_150 : vector<32xbf16>
          %jit3A_500 = arith.constant 1.000000e+00 : bf16
          %jit3A_501 = arith.constant 0.000000e+00 : bf16
          %broadcast_in_dim3A_502 = vector.broadcast %jit3A_500 : bf16 to vector<32xbf16>
          %broadcast_in_dim3A_503 = vector.broadcast %jit3A_501 : bf16 to vector<32xbf16>
          %select_n3A_504 = arith.select %ge3A_499, %broadcast_in_dim3A_502, %broadcast_in_dim3A_503 : vector<32xi1>, vector<32xbf16>
          %bitcast3A_505 = vector.bitcast %select_n3A_504 : vector<32xbf16> to vector<16xi32>
          %ne3A_506 = arith.constant 1065369472 : i32
          %ne3A_507 = vector.broadcast %ne3A_506 : i32 to vector<16xi32>
          %ne3A_508 = arith.cmpi ne, %bitcast3A_505, %ne3A_507 : vector<16xi32>
          %max3A_509 = arith.maximumf %bitcast3A_498, %bitcast3A_150 : vector<32xbf16>
          %bitcast3A_510 = vector.bitcast %max3A_509 : vector<32xbf16> to vector<16xi32>
          tpu.vector_store_idx %arg9[%get3A_148], %bitcast3A_510 masked %ne3A_508 : memref<10000xi32, #tpu.memory_space<vmem>>[vector<16xi32>], vector<16xi32>, vector<16xi1>
          %gather3A_511 = tpu.vector_load_idx %arg8[%get3A_148] : memref<10000xi32, #tpu.memory_space<vmem>>[vector<16xi32>], vector<16xi32>,
          %bitcast3A_512 = vector.bitcast %gather3A_511 : vector<16xi32> to vector<32xbf16>
          %ge3A_513 = arith.cmpf oge, %bitcast3A_512, %bitcast3A : vector<32xbf16>
          %jit3A_514 = arith.constant 1.000000e+00 : bf16
          %jit3A_515 = arith.constant 0.000000e+00 : bf16
          %broadcast_in_dim3A_516 = vector.broadcast %jit3A_514 : bf16 to vector<32xbf16>
          %broadcast_in_dim3A_517 = vector.broadcast %jit3A_515 : bf16 to vector<32xbf16>
          %select_n3A_518 = arith.select %ge3A_513, %broadcast_in_dim3A_516, %broadcast_in_dim3A_517 : vector<32xi1>, vector<32xbf16>
          %bitcast3A_519 = vector.bitcast %select_n3A_518 : vector<32xbf16> to vector<16xi32>
          %ne3A_520 = arith.constant 1065369472 : i32
          %ne3A_521 = vector.broadcast %ne3A_520 : i32 to vector<16xi32>
          %ne3A_522 = arith.cmpi ne, %bitcast3A_519, %ne3A_521 : vector<16xi32>
          %max3A_523 = arith.maximumf %bitcast3A_512, %bitcast3A : vector<32xbf16>
          %bitcast3A_524 = vector.bitcast %max3A_523 : vector<32xbf16> to vector<16xi32>
          tpu.vector_store_idx %arg8[%get3A_148], %bitcast3A_524 masked %ne3A_522 : memref<10000xi32, #tpu.memory_space<vmem>>[vector<16xi32>], vector<16xi32>, vector<16xi1>
          %gather3A_525 = tpu.vector_load_idx %arg9[%get3A_148] : memref<10000xi32, #tpu.memory_space<vmem>>[vector<16xi32>], vector<16xi32>,
          %bitcast3A_526 = vector.bitcast %gather3A_525 : vector<16xi32> to vector<32xbf16>
          %ge3A_527 = arith.cmpf oge, %bitcast3A_526, %bitcast3A_150 : vector<32xbf16>
          %jit3A_528 = arith.constant 1.000000e+00 : bf16
          %jit3A_529 = arith.constant 0.000000e+00 : bf16
          %broadcast_in_dim3A_530 = vector.broadcast %jit3A_528 : bf16 to vector<32xbf16>
          %broadcast_in_dim3A_531 = vector.broadcast %jit3A_529 : bf16 to vector<32xbf16>
          %select_n3A_532 = arith.select %ge3A_527, %broadcast_in_dim3A_530, %broadcast_in_dim3A_531 : vector<32xi1>, vector<32xbf16>
          %bitcast3A_533 = vector.bitcast %select_n3A_532 : vector<32xbf16> to vector<16xi32>
          %ne3A_534 = arith.constant 1065369472 : i32
          %ne3A_535 = vector.broadcast %ne3A_534 : i32 to vector<16xi32>
          %ne3A_536 = arith.cmpi ne, %bitcast3A_533, %ne3A_535 : vector<16xi32>
          %max3A_537 = arith.maximumf %bitcast3A_526, %bitcast3A_150 : vector<32xbf16>
          %bitcast3A_538 = vector.bitcast %max3A_537 : vector<32xbf16> to vector<16xi32>
          tpu.vector_store_idx %arg9[%get3A_148], %bitcast3A_538 masked %ne3A_536 : memref<10000xi32, #tpu.memory_space<vmem>>[vector<16xi32>], vector<16xi32>, vector<16xi1>
          %gather3A_539 = tpu.vector_load_idx %arg8[%get3A_148] : memref<10000xi32, #tpu.memory_space<vmem>>[vector<16xi32>], vector<16xi32>,
          %bitcast3A_540 = vector.bitcast %gather3A_539 : vector<16xi32> to vector<32xbf16>
          %ge3A_541 = arith.cmpf oge, %bitcast3A_540, %bitcast3A : vector<32xbf16>
          %jit3A_542 = arith.constant 1.000000e+00 : bf16
          %jit3A_543 = arith.constant 0.000000e+00 : bf16
          %broadcast_in_dim3A_544 = vector.broadcast %jit3A_542 : bf16 to vector<32xbf16>
          %broadcast_in_dim3A_545 = vector.broadcast %jit3A_543 : bf16 to vector<32xbf16>
          %select_n3A_546 = arith.select %ge3A_541, %broadcast_in_dim3A_544, %broadcast_in_dim3A_545 : vector<32xi1>, vector<32xbf16>
          %bitcast3A_547 = vector.bitcast %select_n3A_546 : vector<32xbf16> to vector<16xi32>
          %ne3A_548 = arith.constant 1065369472 : i32
          %ne3A_549 = vector.broadcast %ne3A_548 : i32 to vector<16xi32>
          %ne3A_550 = arith.cmpi ne, %bitcast3A_547, %ne3A_549 : vector<16xi32>
          %max3A_551 = arith.maximumf %bitcast3A_540, %bitcast3A : vector<32xbf16>
          %bitcast3A_552 = vector.bitcast %max3A_551 : vector<32xbf16> to vector<16xi32>
          tpu.vector_store_idx %arg8[%get3A_148], %bitcast3A_552 masked %ne3A_550 : memref<10000xi32, #tpu.memory_space<vmem>>[vector<16xi32>], vector<16xi32>, vector<16xi1>
          %gather3A_553 = tpu.vector_load_idx %arg9[%get3A_148] : memref<10000xi32, #tpu.memory_space<vmem>>[vector<16xi32>], vector<16xi32>,
          %bitcast3A_554 = vector.bitcast %gather3A_553 : vector<16xi32> to vector<32xbf16>
          %ge3A_555 = arith.cmpf oge, %bitcast3A_554, %bitcast3A_150 : vector<32xbf16>
          %jit3A_556 = arith.constant 1.000000e+00 : bf16
          %jit3A_557 = arith.constant 0.000000e+00 : bf16
          %broadcast_in_dim3A_558 = vector.broadcast %jit3A_556 : bf16 to vector<32xbf16>
          %broadcast_in_dim3A_559 = vector.broadcast %jit3A_557 : bf16 to vector<32xbf16>
          %select_n3A_560 = arith.select %ge3A_555, %broadcast_in_dim3A_558, %broadcast_in_dim3A_559 : vector<32xi1>, vector<32xbf16>
          %bitcast3A_561 = vector.bitcast %select_n3A_560 : vector<32xbf16> to vector<16xi32>
          %ne3A_562 = arith.constant 1065369472 : i32
          %ne3A_563 = vector.broadcast %ne3A_562 : i32 to vector<16xi32>
          %ne3A_564 = arith.cmpi ne, %bitcast3A_561, %ne3A_563 : vector<16xi32>
          %max3A_565 = arith.maximumf %bitcast3A_554, %bitcast3A_150 : vector<32xbf16>
          %bitcast3A_566 = vector.bitcast %max3A_565 : vector<32xbf16> to vector<16xi32>
          tpu.vector_store_idx %arg9[%get3A_148], %bitcast3A_566 masked %ne3A_564 : memref<10000xi32, #tpu.memory_space<vmem>>[vector<16xi32>], vector<16xi32>, vector<16xi1>
        }
        %scan3A_136 = arith.constant 500 : i32
      } else {
      }
      %dma_wait3A_90 = arith.constant 8000 : i32
      %dma_wait3A_91 = tpu.memref_slice %arg10[%dma_wait3A_90] : memref<16000xi32, #tpu.memory_space<vmem>> -> memref<8000xi32, #tpu.memory_space<vmem>>
      %dma_wait3A_92 = arith.constant 0 : i32
      %dma_wait3A_93 = tpu.memref_slice %arg3[%dma_wait3A_92] : memref<320000xi32, #tpu.memory_space<hbm>> -> memref<8000xi32, #tpu.memory_space<hbm>>
      %dma_wait3A_94 = arith.constant 8000 : i32
      %dma_wait3A_95 = tpu.memref_slice %arg10[%dma_wait3A_94] : memref<16000xi32, #tpu.memory_space<vmem>> -> memref<8000xi32, #tpu.memory_space<vmem>>
      %dma_wait3A_96 = arith.constant 0 : i32
      %dma_wait3A_97 = tpu.memref_slice %arg3[%dma_wait3A_96] : memref<320000xi32, #tpu.memory_space<hbm>> -> memref<8000xi32, #tpu.memory_space<hbm>>
      tpu.wait_dma2 semaphore(%arg13 : memref<!tpu.dma_semaphore, #tpu.memory_space<semaphore_mem>>) src(%dma_wait3A_97 : memref<8000xi32, #tpu.memory_space<hbm>>) dst(%dma_wait3A_95 : memref<8000xi32, #tpu.memory_space<vmem>>)
      %dma_wait3A_98 = arith.constant 8000 : i32
      %dma_wait3A_99 = tpu.memref_slice %arg11[%dma_wait3A_98] : memref<16000xi32, #tpu.memory_space<vmem>> -> memref<8000xi32, #tpu.memory_space<vmem>>
      %dma_wait3A_100 = arith.constant 0 : i32
      %dma_wait3A_101 = tpu.memref_slice %arg4[%dma_wait3A_100] : memref<320000xi32, #tpu.memory_space<hbm>> -> memref<8000xi32, #tpu.memory_space<hbm>>
      %dma_wait3A_102 = arith.constant 8000 : i32
      %dma_wait3A_103 = tpu.memref_slice %arg11[%dma_wait3A_102] : memref<16000xi32, #tpu.memory_space<vmem>> -> memref<8000xi32, #tpu.memory_space<vmem>>
      %dma_wait3A_104 = arith.constant 0 : i32
      %dma_wait3A_105 = tpu.memref_slice %arg4[%dma_wait3A_104] : memref<320000xi32, #tpu.memory_space<hbm>> -> memref<8000xi32, #tpu.memory_space<hbm>>
      tpu.wait_dma2 semaphore(%arg13 : memref<!tpu.dma_semaphore, #tpu.memory_space<semaphore_mem>>) src(%dma_wait3A_105 : memref<8000xi32, #tpu.memory_space<hbm>>) dst(%dma_wait3A_103 : memref<8000xi32, #tpu.memory_space<vmem>>)
      %add3A_106 = arith.constant 2 : i32
      %add3A_107 = arith.addi %multiple_of3A, %add3A_106 : i32
      %lt3A = arith.constant 40 : i32
      %lt3A_108 = arith.cmpi slt, %add3A_107, %lt3A : i32
      %convert_element_type3A_109 = arith.extui %lt3A_108 : i1 to i32
      %cond3A_110 = arith.constant 0 : i32
      %cond3A_111 = arith.cmpi ne, %convert_element_type3A_109, %cond3A_110 : i32
      scf.if %cond3A_111 {
        %add3A_131 = arith.constant 2 : i32
        %add3A_132 = arith.addi %multiple_of3A, %add3A_131 : i32
        %mul3A_133 = arith.constant 8000 : i32
        %mul3A_134 = arith.muli %add3A_132, %mul3A_133 : i32
        %dma_start3A_135 = arith.constant 0 : i32
        %dma_start3A_136 = tpu.memref_slice %arg10[%dma_start3A_135] : memref<16000xi32, #tpu.memory_space<vmem>> -> memref<8000xi32, #tpu.memory_space<vmem>>
        %dma_start3A_137 = tpu.memref_slice %arg3[%mul3A_134] : memref<320000xi32, #tpu.memory_space<hbm>> -> memref<8000xi32, #tpu.memory_space<hbm>>
        %dma_start3A_138 = arith.constant 0 : i32
        %dma_start3A_139 = tpu.memref_slice %arg10[%dma_start3A_138] : memref<16000xi32, #tpu.memory_space<vmem>> -> memref<8000xi32, #tpu.memory_space<vmem>>
        %dma_start3A_140 = tpu.memref_slice %arg3[%mul3A_134] : memref<320000xi32, #tpu.memory_space<hbm>> -> memref<8000xi32, #tpu.memory_space<hbm>>
        tpu.enqueue_dma source(%dma_start3A_140 : memref<8000xi32, #tpu.memory_space<hbm>>) target(%dma_start3A_139 : memref<8000xi32, #tpu.memory_space<vmem>>) target_semaphore(%arg12 : memref<!tpu.dma_semaphore, #tpu.memory_space<semaphore_mem>>)
        %dma_start3A_141 = arith.constant 0 : i32
        %dma_start3A_142 = tpu.memref_slice %arg11[%dma_start3A_141] : memref<16000xi32, #tpu.memory_space<vmem>> -> memref<8000xi32, #tpu.memory_space<vmem>>
        %dma_start3A_143 = tpu.memref_slice %arg4[%mul3A_134] : memref<320000xi32, #tpu.memory_space<hbm>> -> memref<8000xi32, #tpu.memory_space<hbm>>
        %dma_start3A_144 = arith.constant 0 : i32
        %dma_start3A_145 = tpu.memref_slice %arg11[%dma_start3A_144] : memref<16000xi32, #tpu.memory_space<vmem>> -> memref<8000xi32, #tpu.memory_space<vmem>>
        %dma_start3A_146 = tpu.memref_slice %arg4[%mul3A_134] : memref<320000xi32, #tpu.memory_space<hbm>> -> memref<8000xi32, #tpu.memory_space<hbm>>
        tpu.enqueue_dma source(%dma_start3A_146 : memref<8000xi32, #tpu.memory_space<hbm>>) target(%dma_start3A_145 : memref<8000xi32, #tpu.memory_space<vmem>>) target_semaphore(%arg12 : memref<!tpu.dma_semaphore, #tpu.memory_space<semaphore_mem>>)
      } else {
      }
      %broadcast_in_dim3A_112 = arith.constant 0 : i32
      %broadcast_in_dim3A_113 = vector.broadcast %broadcast_in_dim3A_112 : i32 to vector<16xi32>
      %scan3A_114 = arith.constant 0 : i32
      %scan3A_115 = arith.constant 250 : i32
      %scan3A_116 = arith.addi %scan3A_114, %scan3A_115 : i32
      %scan3A_117 = arith.constant 1 : i32
      %scan3A_118 = scf.for %scan3A_131 = %scan3A_114 to %scan3A_116 step %scan3A_117 iter_args(%scan3A_132 = %broadcast_in_dim3A_113) -> (vector<16xi32>)  : i32 {
        %mul3A_133 = arith.constant 32 : i32
        %mul3A_134 = arith.muli %scan3A_131, %mul3A_133 : i32
        %add3A_135 = arith.constant 8000 : i32
        %add3A_136 = arith.addi %add3A_135, %mul3A_134 : i32
        %get3A = arith.index_cast %add3A_136 : i32 to index
        %get3A_137 = tpu.vector_load %arg10[%get3A] {strides = array<i32>} : memref<16000xi32, #tpu.memory_space<vmem>>, vector<16xi32>,
        %get3A_138 = arith.index_cast %add3A_136 : i32 to index
        %get3A_139 = tpu.vector_load %arg11[%get3A_138] {strides = array<i32>} : memref<16000xi32, #tpu.memory_space<vmem>>, vector<16xi32>,
        %gather3A = tpu.vector_load_idx %arg6[%get3A_137] : memref<10000xi32, #tpu.memory_space<vmem>>[vector<16xi32>], vector<16xi32>,
        %bitcast3A = vector.bitcast %gather3A : vector<16xi32> to vector<32xbf16>
        %gather3A_140 = tpu.vector_load_idx %arg7[%get3A_137] : memref<10000xi32, #tpu.memory_space<vmem>>[vector<16xi32>], vector<16xi32>,
        %bitcast3A_141 = vector.bitcast %gather3A_140 : vector<16xi32> to vector<32xbf16>
        %broadcast_in_dim3A_142 = arith.constant true
        %broadcast_in_dim3A_143 = vector.broadcast %broadcast_in_dim3A_142 : i1 to vector<16xi1>
        %unique3A, %unique3A_144 = tpu.scan_count mask(%broadcast_in_dim3A_143 : vector<16xi1>) value(%get3A_139 : vector<16xi32>) : vector<16xi1>, vector<16xi32>
        %gather3A_145 = tpu.vector_load_idx %arg8[%get3A_139] : memref<10000xi32, #tpu.memory_space<vmem>>[vector<16xi32>], vector<16xi32>,
        %bitcast3A_146 = vector.bitcast %gather3A_145 : vector<16xi32> to vector<32xbf16>
        %max3A = arith.maximumf %bitcast3A_146, %bitcast3A : vector<32xbf16>
        %bitcast3A_147 = vector.bitcast %max3A : vector<32xbf16> to vector<16xi32>
        tpu.vector_store_idx %arg8[%get3A_139], %bitcast3A_147 masked %unique3A : memref<10000xi32, #tpu.memory_space<vmem>>[vector<16xi32>], vector<16xi32>, vector<16xi1>
        %gather3A_148 = tpu.vector_load_idx %arg9[%get3A_139] : memref<10000xi32, #tpu.memory_space<vmem>>[vector<16xi32>], vector<16xi32>,
        %bitcast3A_149 = vector.bitcast %gather3A_148 : vector<16xi32> to vector<32xbf16>
        %max3A_150 = arith.maximumf %bitcast3A_149, %bitcast3A_141 : vector<32xbf16>
        %bitcast3A_151 = vector.bitcast %max3A_150 : vector<32xbf16> to vector<16xi32>
        tpu.vector_store_idx %arg9[%get3A_139], %bitcast3A_151 masked %unique3A : memref<10000xi32, #tpu.memory_space<vmem>>[vector<16xi32>], vector<16xi32>, vector<16xi1>
        %not3A = arith.constant dense<true> : vector<16xi1>
        %not3A_152 = arith.xori %unique3A, %not3A : vector<16xi1>
        %gather3A_153 = tpu.vector_load_idx %arg8[%get3A_139] : memref<10000xi32, #tpu.memory_space<vmem>>[vector<16xi32>], vector<16xi32>,
        %bitcast3A_154 = vector.bitcast %gather3A_153 : vector<16xi32> to vector<32xbf16>
        %max3A_155 = arith.maximumf %bitcast3A_154, %bitcast3A : vector<32xbf16>
        %bitcast3A_156 = vector.bitcast %max3A_155 : vector<32xbf16> to vector<16xi32>
        tpu.vector_store_idx %arg8[%get3A_139], %bitcast3A_156 masked %not3A_152 : memref<10000xi32, #tpu.memory_space<vmem>>[vector<16xi32>], vector<16xi32>, vector<16xi1>
        %gather3A_157 = tpu.vector_load_idx %arg9[%get3A_139] : memref<10000xi32, #tpu.memory_space<vmem>>[vector<16xi32>], vector<16xi32>,
        %bitcast3A_158 = vector.bitcast %gather3A_157 : vector<16xi32> to vector<32xbf16>
        %max3A_159 = arith.maximumf %bitcast3A_158, %bitcast3A_141 : vector<32xbf16>
        %bitcast3A_160 = vector.bitcast %max3A_159 : vector<32xbf16> to vector<16xi32>
        tpu.vector_store_idx %arg9[%get3A_139], %bitcast3A_160 masked %not3A_152 : memref<10000xi32, #tpu.memory_space<vmem>>[vector<16xi32>], vector<16xi32>, vector<16xi1>
        %ge3A = arith.constant 3 : i32
        %ge3A_161 = vector.broadcast %ge3A : i32 to vector<16xi32>
        %ge3A_162 = arith.cmpi sge, %unique3A_144, %ge3A_161 : vector<16xi32>
        %convert_element_type3A_163 = arith.extui %ge3A_162 : vector<16xi1> to vector<16xi32>
        %or3A = arith.ori %scan3A_132, %convert_element_type3A_163 : vector<16xi32>
        %add3A_164 = arith.constant 16 : i32
        %add3A_165 = arith.addi %add3A_136, %add3A_164 : i32
        %get3A_166 = arith.index_cast %add3A_165 : i32 to index
        %get3A_167 = tpu.vector_load %arg10[%get3A_166] {strides = array<i32>} : memref<16000xi32, #tpu.memory_space<vmem>>, vector<16xi32>,
        %get3A_168 = arith.index_cast %add3A_165 : i32 to index
        %get3A_169 = tpu.vector_load %arg11[%get3A_168] {strides = array<i32>} : memref<16000xi32, #tpu.memory_space<vmem>>, vector<16xi32>,
        %gather3A_170 = tpu.vector_load_idx %arg6[%get3A_167] : memref<10000xi32, #tpu.memory_space<vmem>>[vector<16xi32>], vector<16xi32>,
        %bitcast3A_171 = vector.bitcast %gather3A_170 : vector<16xi32> to vector<32xbf16>
        %gather3A_172 = tpu.vector_load_idx %arg7[%get3A_167] : memref<10000xi32, #tpu.memory_space<vmem>>[vector<16xi32>], vector<16xi32>,
        %bitcast3A_173 = vector.bitcast %gather3A_172 : vector<16xi32> to vector<32xbf16>
        %broadcast_in_dim3A_174 = arith.constant true
        %broadcast_in_dim3A_175 = vector.broadcast %broadcast_in_dim3A_174 : i1 to vector<16xi1>
        %unique3A_176, %unique3A_177 = tpu.scan_count mask(%broadcast_in_dim3A_175 : vector<16xi1>) value(%get3A_169 : vector<16xi32>) : vector<16xi1>, vector<16xi32>
        %gather3A_178 = tpu.vector_load_idx %arg8[%get3A_169] : memref<10000xi32, #tpu.memory_space<vmem>>[vector<16xi32>], vector<16xi32>,
        %bitcast3A_179 = vector.bitcast %gather3A_178 : vector<16xi32> to vector<32xbf16>
        %max3A_180 = arith.maximumf %bitcast3A_179, %bitcast3A_171 : vector<32xbf16>
        %bitcast3A_181 = vector.bitcast %max3A_180 : vector<32xbf16> to vector<16xi32>
        tpu.vector_store_idx %arg8[%get3A_169], %bitcast3A_181 masked %unique3A_176 : memref<10000xi32, #tpu.memory_space<vmem>>[vector<16xi32>], vector<16xi32>, vector<16xi1>
        %gather3A_182 = tpu.vector_load_idx %arg9[%get3A_169] : memref<10000xi32, #tpu.memory_space<vmem>>[vector<16xi32>], vector<16xi32>,
        %bitcast3A_183 = vector.bitcast %gather3A_182 : vector<16xi32> to vector<32xbf16>
        %max3A_184 = arith.maximumf %bitcast3A_183, %bitcast3A_173 : vector<32xbf16>
        %bitcast3A_185 = vector.bitcast %max3A_184 : vector<32xbf16> to vector<16xi32>
        tpu.vector_store_idx %arg9[%get3A_169], %bitcast3A_185 masked %unique3A_176 : memref<10000xi32, #tpu.memory_space<vmem>>[vector<16xi32>], vector<16xi32>, vector<16xi1>
        %not3A_186 = arith.constant dense<true> : vector<16xi1>
        %not3A_187 = arith.xori %unique3A_176, %not3A_186 : vector<16xi1>
        %gather3A_188 = tpu.vector_load_idx %arg8[%get3A_169] : memref<10000xi32, #tpu.memory_space<vmem>>[vector<16xi32>], vector<16xi32>,
        %bitcast3A_189 = vector.bitcast %gather3A_188 : vector<16xi32> to vector<32xbf16>
        %max3A_190 = arith.maximumf %bitcast3A_189, %bitcast3A_171 : vector<32xbf16>
        %bitcast3A_191 = vector.bitcast %max3A_190 : vector<32xbf16> to vector<16xi32>
        tpu.vector_store_idx %arg8[%get3A_169], %bitcast3A_191 masked %not3A_187 : memref<10000xi32, #tpu.memory_space<vmem>>[vector<16xi32>], vector<16xi32>, vector<16xi1>
        %gather3A_192 = tpu.vector_load_idx %arg9[%get3A_169] : memref<10000xi32, #tpu.memory_space<vmem>>[vector<16xi32>], vector<16xi32>,
        %bitcast3A_193 = vector.bitcast %gather3A_192 : vector<16xi32> to vector<32xbf16>
        %max3A_194 = arith.maximumf %bitcast3A_193, %bitcast3A_173 : vector<32xbf16>
        %bitcast3A_195 = vector.bitcast %max3A_194 : vector<32xbf16> to vector<16xi32>
        tpu.vector_store_idx %arg9[%get3A_169], %bitcast3A_195 masked %not3A_187 : memref<10000xi32, #tpu.memory_space<vmem>>[vector<16xi32>], vector<16xi32>, vector<16xi1>
        %ge3A_196 = arith.constant 3 : i32
        %ge3A_197 = vector.broadcast %ge3A_196 : i32 to vector<16xi32>
        %ge3A_198 = arith.cmpi sge, %unique3A_177, %ge3A_197 : vector<16xi32>
        %convert_element_type3A_199 = arith.extui %ge3A_198 : vector<16xi1> to vector<16xi32>
        %or3A_200 = arith.ori %or3A, %convert_element_type3A_199 : vector<16xi32>
        scf.yield %or3A_200 : vector<16xi32>
      }
      %scan3A_119 = arith.constant 250 : i32
      %ne3A_120 = arith.constant 0 : i32
      %ne3A_121 = vector.broadcast %ne3A_120 : i32 to vector<16xi32>
      %ne3A_122 = arith.cmpi ne, %scan3A_118, %ne3A_121 : vector<16xi32>
      %all_reduce_population_count3A_123 = tpu.all_reduce %ne3A_122 {dim = 0 : i64, kind = #tpu.reduction_kind<sum>} : vector<16xi1> -> vector<16xi32>
      %slice3A_124 = vector.extract_strided_slice %all_reduce_population_count3A_123 {offsets = [0], sizes = [1], strides = [1]} : vector<16xi32> to vector<1xi32>
      %squeeze3A_125 = vector.extract %slice3A_124[0] : i32 from vector<1xi32>
      %gt3A_126 = arith.constant 0 : i32
      %gt3A_127 = arith.cmpi sgt, %squeeze3A_125, %gt3A_126 : i32
      %convert_element_type3A_128 = arith.extui %gt3A_127 : i1 to i32
      %cond3A_129 = arith.constant 0 : i32
      %cond3A_130 = arith.cmpi ne, %convert_element_type3A_128, %cond3A_129 : i32
      scf.if %cond3A_130 {
        %scan3A_131 = arith.constant 0 : i32
        %scan3A_132 = arith.constant 0 : i32
        %scan3A_133 = arith.constant 500 : i32
        %scan3A_134 = arith.addi %scan3A_132, %scan3A_133 : i32
        %scan3A_135 = arith.constant 1 : i32
        scf.for %scan3A_137 = %scan3A_132 to %scan3A_134 step %scan3A_135  : i32 {
          %mul3A_138 = arith.constant 16 : i32
          %mul3A_139 = arith.muli %scan3A_137, %mul3A_138 : i32
          %add3A_140 = arith.constant 8000 : i32
          %add3A_141 = arith.addi %add3A_140, %mul3A_139 : i32
          %get3A = arith.index_cast %add3A_141 : i32 to index
          %get3A_142 = tpu.vector_load %arg10[%get3A] {strides = array<i32>} : memref<16000xi32, #tpu.memory_space<vmem>>, vector<16xi32>,
          %mul3A_143 = arith.constant 16 : i32
          %mul3A_144 = arith.muli %scan3A_137, %mul3A_143 : i32
          %add3A_145 = arith.constant 8000 : i32
          %add3A_146 = arith.addi %add3A_145, %mul3A_144 : i32
          %get3A_147 = arith.index_cast %add3A_146 : i32 to index
          %get3A_148 = tpu.vector_load %arg11[%get3A_147] {strides = array<i32>} : memref<16000xi32, #tpu.memory_space<vmem>>, vector<16xi32>,
          %gather3A = tpu.vector_load_idx %arg6[%get3A_142] : memref<10000xi32, #tpu.memory_space<vmem>>[vector<16xi32>], vector<16xi32>,
          %bitcast3A = vector.bitcast %gather3A : vector<16xi32> to vector<32xbf16>
          %gather3A_149 = tpu.vector_load_idx %arg7[%get3A_142] : memref<10000xi32, #tpu.memory_space<vmem>>[vector<16xi32>], vector<16xi32>,
          %bitcast3A_150 = vector.bitcast %gather3A_149 : vector<16xi32> to vector<32xbf16>
          %gather3A_151 = tpu.vector_load_idx %arg8[%get3A_148] : memref<10000xi32, #tpu.memory_space<vmem>>[vector<16xi32>], vector<16xi32>,
          %bitcast3A_152 = vector.bitcast %gather3A_151 : vector<16xi32> to vector<32xbf16>
          %ge3A = arith.cmpf oge, %bitcast3A_152, %bitcast3A : vector<32xbf16>
          %jit3A = arith.constant 1.000000e+00 : bf16
          %jit3A_153 = arith.constant 0.000000e+00 : bf16
          %broadcast_in_dim3A_154 = vector.broadcast %jit3A : bf16 to vector<32xbf16>
          %broadcast_in_dim3A_155 = vector.broadcast %jit3A_153 : bf16 to vector<32xbf16>
          %select_n3A = arith.select %ge3A, %broadcast_in_dim3A_154, %broadcast_in_dim3A_155 : vector<32xi1>, vector<32xbf16>
          %bitcast3A_156 = vector.bitcast %select_n3A : vector<32xbf16> to vector<16xi32>
          %ne3A_157 = arith.constant 1065369472 : i32
          %ne3A_158 = vector.broadcast %ne3A_157 : i32 to vector<16xi32>
          %ne3A_159 = arith.cmpi ne, %bitcast3A_156, %ne3A_158 : vector<16xi32>
          %max3A = arith.maximumf %bitcast3A_152, %bitcast3A : vector<32xbf16>
          %bitcast3A_160 = vector.bitcast %max3A : vector<32xbf16> to vector<16xi32>
          tpu.vector_store_idx %arg8[%get3A_148], %bitcast3A_160 masked %ne3A_159 : memref<10000xi32, #tpu.memory_space<vmem>>[vector<16xi32>], vector<16xi32>, vector<16xi1>
          %gather3A_161 = tpu.vector_load_idx %arg9[%get3A_148] : memref<10000xi32, #tpu.memory_space<vmem>>[vector<16xi32>], vector<16xi32>,
          %bitcast3A_162 = vector.bitcast %gather3A_161 : vector<16xi32> to vector<32xbf16>
          %ge3A_163 = arith.cmpf oge, %bitcast3A_162, %bitcast3A_150 : vector<32xbf16>
          %jit3A_164 = arith.constant 1.000000e+00 : bf16
          %jit3A_165 = arith.constant 0.000000e+00 : bf16
          %broadcast_in_dim3A_166 = vector.broadcast %jit3A_164 : bf16 to vector<32xbf16>
          %broadcast_in_dim3A_167 = vector.broadcast %jit3A_165 : bf16 to vector<32xbf16>
          %select_n3A_168 = arith.select %ge3A_163, %broadcast_in_dim3A_166, %broadcast_in_dim3A_167 : vector<32xi1>, vector<32xbf16>
          %bitcast3A_169 = vector.bitcast %select_n3A_168 : vector<32xbf16> to vector<16xi32>
          %ne3A_170 = arith.constant 1065369472 : i32
          %ne3A_171 = vector.broadcast %ne3A_170 : i32 to vector<16xi32>
          %ne3A_172 = arith.cmpi ne, %bitcast3A_169, %ne3A_171 : vector<16xi32>
          %max3A_173 = arith.maximumf %bitcast3A_162, %bitcast3A_150 : vector<32xbf16>
          %bitcast3A_174 = vector.bitcast %max3A_173 : vector<32xbf16> to vector<16xi32>
          tpu.vector_store_idx %arg9[%get3A_148], %bitcast3A_174 masked %ne3A_172 : memref<10000xi32, #tpu.memory_space<vmem>>[vector<16xi32>], vector<16xi32>, vector<16xi1>
          %gather3A_175 = tpu.vector_load_idx %arg8[%get3A_148] : memref<10000xi32, #tpu.memory_space<vmem>>[vector<16xi32>], vector<16xi32>,
          %bitcast3A_176 = vector.bitcast %gather3A_175 : vector<16xi32> to vector<32xbf16>
          %ge3A_177 = arith.cmpf oge, %bitcast3A_176, %bitcast3A : vector<32xbf16>
          %jit3A_178 = arith.constant 1.000000e+00 : bf16
          %jit3A_179 = arith.constant 0.000000e+00 : bf16
          %broadcast_in_dim3A_180 = vector.broadcast %jit3A_178 : bf16 to vector<32xbf16>
          %broadcast_in_dim3A_181 = vector.broadcast %jit3A_179 : bf16 to vector<32xbf16>
          %select_n3A_182 = arith.select %ge3A_177, %broadcast_in_dim3A_180, %broadcast_in_dim3A_181 : vector<32xi1>, vector<32xbf16>
          %bitcast3A_183 = vector.bitcast %select_n3A_182 : vector<32xbf16> to vector<16xi32>
          %ne3A_184 = arith.constant 1065369472 : i32
          %ne3A_185 = vector.broadcast %ne3A_184 : i32 to vector<16xi32>
          %ne3A_186 = arith.cmpi ne, %bitcast3A_183, %ne3A_185 : vector<16xi32>
          %max3A_187 = arith.maximumf %bitcast3A_176, %bitcast3A : vector<32xbf16>
          %bitcast3A_188 = vector.bitcast %max3A_187 : vector<32xbf16> to vector<16xi32>
          tpu.vector_store_idx %arg8[%get3A_148], %bitcast3A_188 masked %ne3A_186 : memref<10000xi32, #tpu.memory_space<vmem>>[vector<16xi32>], vector<16xi32>, vector<16xi1>
          %gather3A_189 = tpu.vector_load_idx %arg9[%get3A_148] : memref<10000xi32, #tpu.memory_space<vmem>>[vector<16xi32>], vector<16xi32>,
          %bitcast3A_190 = vector.bitcast %gather3A_189 : vector<16xi32> to vector<32xbf16>
          %ge3A_191 = arith.cmpf oge, %bitcast3A_190, %bitcast3A_150 : vector<32xbf16>
          %jit3A_192 = arith.constant 1.000000e+00 : bf16
          %jit3A_193 = arith.constant 0.000000e+00 : bf16
          %broadcast_in_dim3A_194 = vector.broadcast %jit3A_192 : bf16 to vector<32xbf16>
          %broadcast_in_dim3A_195 = vector.broadcast %jit3A_193 : bf16 to vector<32xbf16>
          %select_n3A_196 = arith.select %ge3A_191, %broadcast_in_dim3A_194, %broadcast_in_dim3A_195 : vector<32xi1>, vector<32xbf16>
          %bitcast3A_197 = vector.bitcast %select_n3A_196 : vector<32xbf16> to vector<16xi32>
          %ne3A_198 = arith.constant 1065369472 : i32
          %ne3A_199 = vector.broadcast %ne3A_198 : i32 to vector<16xi32>
          %ne3A_200 = arith.cmpi ne, %bitcast3A_197, %ne3A_199 : vector<16xi32>
          %max3A_201 = arith.maximumf %bitcast3A_190, %bitcast3A_150 : vector<32xbf16>
          %bitcast3A_202 = vector.bitcast %max3A_201 : vector<32xbf16> to vector<16xi32>
          tpu.vector_store_idx %arg9[%get3A_148], %bitcast3A_202 masked %ne3A_200 : memref<10000xi32, #tpu.memory_space<vmem>>[vector<16xi32>], vector<16xi32>, vector<16xi1>
          %gather3A_203 = tpu.vector_load_idx %arg8[%get3A_148] : memref<10000xi32, #tpu.memory_space<vmem>>[vector<16xi32>], vector<16xi32>,
          %bitcast3A_204 = vector.bitcast %gather3A_203 : vector<16xi32> to vector<32xbf16>
          %ge3A_205 = arith.cmpf oge, %bitcast3A_204, %bitcast3A : vector<32xbf16>
          %jit3A_206 = arith.constant 1.000000e+00 : bf16
          %jit3A_207 = arith.constant 0.000000e+00 : bf16
          %broadcast_in_dim3A_208 = vector.broadcast %jit3A_206 : bf16 to vector<32xbf16>
          %broadcast_in_dim3A_209 = vector.broadcast %jit3A_207 : bf16 to vector<32xbf16>
          %select_n3A_210 = arith.select %ge3A_205, %broadcast_in_dim3A_208, %broadcast_in_dim3A_209 : vector<32xi1>, vector<32xbf16>
          %bitcast3A_211 = vector.bitcast %select_n3A_210 : vector<32xbf16> to vector<16xi32>
          %ne3A_212 = arith.constant 1065369472 : i32
          %ne3A_213 = vector.broadcast %ne3A_212 : i32 to vector<16xi32>
          %ne3A_214 = arith.cmpi ne, %bitcast3A_211, %ne3A_213 : vector<16xi32>
          %max3A_215 = arith.maximumf %bitcast3A_204, %bitcast3A : vector<32xbf16>
          %bitcast3A_216 = vector.bitcast %max3A_215 : vector<32xbf16> to vector<16xi32>
          tpu.vector_store_idx %arg8[%get3A_148], %bitcast3A_216 masked %ne3A_214 : memref<10000xi32, #tpu.memory_space<vmem>>[vector<16xi32>], vector<16xi32>, vector<16xi1>
          %gather3A_217 = tpu.vector_load_idx %arg9[%get3A_148] : memref<10000xi32, #tpu.memory_space<vmem>>[vector<16xi32>], vector<16xi32>,
          %bitcast3A_218 = vector.bitcast %gather3A_217 : vector<16xi32> to vector<32xbf16>
          %ge3A_219 = arith.cmpf oge, %bitcast3A_218, %bitcast3A_150 : vector<32xbf16>
          %jit3A_220 = arith.constant 1.000000e+00 : bf16
          %jit3A_221 = arith.constant 0.000000e+00 : bf16
          %broadcast_in_dim3A_222 = vector.broadcast %jit3A_220 : bf16 to vector<32xbf16>
          %broadcast_in_dim3A_223 = vector.broadcast %jit3A_221 : bf16 to vector<32xbf16>
          %select_n3A_224 = arith.select %ge3A_219, %broadcast_in_dim3A_222, %broadcast_in_dim3A_223 : vector<32xi1>, vector<32xbf16>
          %bitcast3A_225 = vector.bitcast %select_n3A_224 : vector<32xbf16> to vector<16xi32>
          %ne3A_226 = arith.constant 1065369472 : i32
          %ne3A_227 = vector.broadcast %ne3A_226 : i32 to vector<16xi32>
          %ne3A_228 = arith.cmpi ne, %bitcast3A_225, %ne3A_227 : vector<16xi32>
          %max3A_229 = arith.maximumf %bitcast3A_218, %bitcast3A_150 : vector<32xbf16>
          %bitcast3A_230 = vector.bitcast %max3A_229 : vector<32xbf16> to vector<16xi32>
          tpu.vector_store_idx %arg9[%get3A_148], %bitcast3A_230 masked %ne3A_228 : memref<10000xi32, #tpu.memory_space<vmem>>[vector<16xi32>], vector<16xi32>, vector<16xi1>
          %gather3A_231 = tpu.vector_load_idx %arg8[%get3A_148] : memref<10000xi32, #tpu.memory_space<vmem>>[vector<16xi32>], vector<16xi32>,
          %bitcast3A_232 = vector.bitcast %gather3A_231 : vector<16xi32> to vector<32xbf16>
          %ge3A_233 = arith.cmpf oge, %bitcast3A_232, %bitcast3A : vector<32xbf16>
          %jit3A_234 = arith.constant 1.000000e+00 : bf16
          %jit3A_235 = arith.constant 0.000000e+00 : bf16
          %broadcast_in_dim3A_236 = vector.broadcast %jit3A_234 : bf16 to vector<32xbf16>
          %broadcast_in_dim3A_237 = vector.broadcast %jit3A_235 : bf16 to vector<32xbf16>
          %select_n3A_238 = arith.select %ge3A_233, %broadcast_in_dim3A_236, %broadcast_in_dim3A_237 : vector<32xi1>, vector<32xbf16>
          %bitcast3A_239 = vector.bitcast %select_n3A_238 : vector<32xbf16> to vector<16xi32>
          %ne3A_240 = arith.constant 1065369472 : i32
          %ne3A_241 = vector.broadcast %ne3A_240 : i32 to vector<16xi32>
          %ne3A_242 = arith.cmpi ne, %bitcast3A_239, %ne3A_241 : vector<16xi32>
          %max3A_243 = arith.maximumf %bitcast3A_232, %bitcast3A : vector<32xbf16>
          %bitcast3A_244 = vector.bitcast %max3A_243 : vector<32xbf16> to vector<16xi32>
          tpu.vector_store_idx %arg8[%get3A_148], %bitcast3A_244 masked %ne3A_242 : memref<10000xi32, #tpu.memory_space<vmem>>[vector<16xi32>], vector<16xi32>, vector<16xi1>
          %gather3A_245 = tpu.vector_load_idx %arg9[%get3A_148] : memref<10000xi32, #tpu.memory_space<vmem>>[vector<16xi32>], vector<16xi32>,
          %bitcast3A_246 = vector.bitcast %gather3A_245 : vector<16xi32> to vector<32xbf16>
          %ge3A_247 = arith.cmpf oge, %bitcast3A_246, %bitcast3A_150 : vector<32xbf16>
          %jit3A_248 = arith.constant 1.000000e+00 : bf16
          %jit3A_249 = arith.constant 0.000000e+00 : bf16
          %broadcast_in_dim3A_250 = vector.broadcast %jit3A_248 : bf16 to vector<32xbf16>
          %broadcast_in_dim3A_251 = vector.broadcast %jit3A_249 : bf16 to vector<32xbf16>
          %select_n3A_252 = arith.select %ge3A_247, %broadcast_in_dim3A_250, %broadcast_in_dim3A_251 : vector<32xi1>, vector<32xbf16>
          %bitcast3A_253 = vector.bitcast %select_n3A_252 : vector<32xbf16> to vector<16xi32>
          %ne3A_254 = arith.constant 1065369472 : i32
          %ne3A_255 = vector.broadcast %ne3A_254 : i32 to vector<16xi32>
          %ne3A_256 = arith.cmpi ne, %bitcast3A_253, %ne3A_255 : vector<16xi32>
          %max3A_257 = arith.maximumf %bitcast3A_246, %bitcast3A_150 : vector<32xbf16>
          %bitcast3A_258 = vector.bitcast %max3A_257 : vector<32xbf16> to vector<16xi32>
          tpu.vector_store_idx %arg9[%get3A_148], %bitcast3A_258 masked %ne3A_256 : memref<10000xi32, #tpu.memory_space<vmem>>[vector<16xi32>], vector<16xi32>, vector<16xi1>
          %gather3A_259 = tpu.vector_load_idx %arg8[%get3A_148] : memref<10000xi32, #tpu.memory_space<vmem>>[vector<16xi32>], vector<16xi32>,
          %bitcast3A_260 = vector.bitcast %gather3A_259 : vector<16xi32> to vector<32xbf16>
          %ge3A_261 = arith.cmpf oge, %bitcast3A_260, %bitcast3A : vector<32xbf16>
          %jit3A_262 = arith.constant 1.000000e+00 : bf16
          %jit3A_263 = arith.constant 0.000000e+00 : bf16
          %broadcast_in_dim3A_264 = vector.broadcast %jit3A_262 : bf16 to vector<32xbf16>
          %broadcast_in_dim3A_265 = vector.broadcast %jit3A_263 : bf16 to vector<32xbf16>
          %select_n3A_266 = arith.select %ge3A_261, %broadcast_in_dim3A_264, %broadcast_in_dim3A_265 : vector<32xi1>, vector<32xbf16>
          %bitcast3A_267 = vector.bitcast %select_n3A_266 : vector<32xbf16> to vector<16xi32>
          %ne3A_268 = arith.constant 1065369472 : i32
          %ne3A_269 = vector.broadcast %ne3A_268 : i32 to vector<16xi32>
          %ne3A_270 = arith.cmpi ne, %bitcast3A_267, %ne3A_269 : vector<16xi32>
          %max3A_271 = arith.maximumf %bitcast3A_260, %bitcast3A : vector<32xbf16>
          %bitcast3A_272 = vector.bitcast %max3A_271 : vector<32xbf16> to vector<16xi32>
          tpu.vector_store_idx %arg8[%get3A_148], %bitcast3A_272 masked %ne3A_270 : memref<10000xi32, #tpu.memory_space<vmem>>[vector<16xi32>], vector<16xi32>, vector<16xi1>
          %gather3A_273 = tpu.vector_load_idx %arg9[%get3A_148] : memref<10000xi32, #tpu.memory_space<vmem>>[vector<16xi32>], vector<16xi32>,
          %bitcast3A_274 = vector.bitcast %gather3A_273 : vector<16xi32> to vector<32xbf16>
          %ge3A_275 = arith.cmpf oge, %bitcast3A_274, %bitcast3A_150 : vector<32xbf16>
          %jit3A_276 = arith.constant 1.000000e+00 : bf16
          %jit3A_277 = arith.constant 0.000000e+00 : bf16
          %broadcast_in_dim3A_278 = vector.broadcast %jit3A_276 : bf16 to vector<32xbf16>
          %broadcast_in_dim3A_279 = vector.broadcast %jit3A_277 : bf16 to vector<32xbf16>
          %select_n3A_280 = arith.select %ge3A_275, %broadcast_in_dim3A_278, %broadcast_in_dim3A_279 : vector<32xi1>, vector<32xbf16>
          %bitcast3A_281 = vector.bitcast %select_n3A_280 : vector<32xbf16> to vector<16xi32>
          %ne3A_282 = arith.constant 1065369472 : i32
          %ne3A_283 = vector.broadcast %ne3A_282 : i32 to vector<16xi32>
          %ne3A_284 = arith.cmpi ne, %bitcast3A_281, %ne3A_283 : vector<16xi32>
          %max3A_285 = arith.maximumf %bitcast3A_274, %bitcast3A_150 : vector<32xbf16>
          %bitcast3A_286 = vector.bitcast %max3A_285 : vector<32xbf16> to vector<16xi32>
          tpu.vector_store_idx %arg9[%get3A_148], %bitcast3A_286 masked %ne3A_284 : memref<10000xi32, #tpu.memory_space<vmem>>[vector<16xi32>], vector<16xi32>, vector<16xi1>
          %gather3A_287 = tpu.vector_load_idx %arg8[%get3A_148] : memref<10000xi32, #tpu.memory_space<vmem>>[vector<16xi32>], vector<16xi32>,
          %bitcast3A_288 = vector.bitcast %gather3A_287 : vector<16xi32> to vector<32xbf16>
          %ge3A_289 = arith.cmpf oge, %bitcast3A_288, %bitcast3A : vector<32xbf16>
          %jit3A_290 = arith.constant 1.000000e+00 : bf16
          %jit3A_291 = arith.constant 0.000000e+00 : bf16
          %broadcast_in_dim3A_292 = vector.broadcast %jit3A_290 : bf16 to vector<32xbf16>
          %broadcast_in_dim3A_293 = vector.broadcast %jit3A_291 : bf16 to vector<32xbf16>
          %select_n3A_294 = arith.select %ge3A_289, %broadcast_in_dim3A_292, %broadcast_in_dim3A_293 : vector<32xi1>, vector<32xbf16>
          %bitcast3A_295 = vector.bitcast %select_n3A_294 : vector<32xbf16> to vector<16xi32>
          %ne3A_296 = arith.constant 1065369472 : i32
          %ne3A_297 = vector.broadcast %ne3A_296 : i32 to vector<16xi32>
          %ne3A_298 = arith.cmpi ne, %bitcast3A_295, %ne3A_297 : vector<16xi32>
          %max3A_299 = arith.maximumf %bitcast3A_288, %bitcast3A : vector<32xbf16>
          %bitcast3A_300 = vector.bitcast %max3A_299 : vector<32xbf16> to vector<16xi32>
          tpu.vector_store_idx %arg8[%get3A_148], %bitcast3A_300 masked %ne3A_298 : memref<10000xi32, #tpu.memory_space<vmem>>[vector<16xi32>], vector<16xi32>, vector<16xi1>
          %gather3A_301 = tpu.vector_load_idx %arg9[%get3A_148] : memref<10000xi32, #tpu.memory_space<vmem>>[vector<16xi32>], vector<16xi32>,
          %bitcast3A_302 = vector.bitcast %gather3A_301 : vector<16xi32> to vector<32xbf16>
          %ge3A_303 = arith.cmpf oge, %bitcast3A_302, %bitcast3A_150 : vector<32xbf16>
          %jit3A_304 = arith.constant 1.000000e+00 : bf16
          %jit3A_305 = arith.constant 0.000000e+00 : bf16
          %broadcast_in_dim3A_306 = vector.broadcast %jit3A_304 : bf16 to vector<32xbf16>
          %broadcast_in_dim3A_307 = vector.broadcast %jit3A_305 : bf16 to vector<32xbf16>
          %select_n3A_308 = arith.select %ge3A_303, %broadcast_in_dim3A_306, %broadcast_in_dim3A_307 : vector<32xi1>, vector<32xbf16>
          %bitcast3A_309 = vector.bitcast %select_n3A_308 : vector<32xbf16> to vector<16xi32>
          %ne3A_310 = arith.constant 1065369472 : i32
          %ne3A_311 = vector.broadcast %ne3A_310 : i32 to vector<16xi32>
          %ne3A_312 = arith.cmpi ne, %bitcast3A_309, %ne3A_311 : vector<16xi32>
          %max3A_313 = arith.maximumf %bitcast3A_302, %bitcast3A_150 : vector<32xbf16>
          %bitcast3A_314 = vector.bitcast %max3A_313 : vector<32xbf16> to vector<16xi32>
          tpu.vector_store_idx %arg9[%get3A_148], %bitcast3A_314 masked %ne3A_312 : memref<10000xi32, #tpu.memory_space<vmem>>[vector<16xi32>], vector<16xi32>, vector<16xi1>
          %gather3A_315 = tpu.vector_load_idx %arg8[%get3A_148] : memref<10000xi32, #tpu.memory_space<vmem>>[vector<16xi32>], vector<16xi32>,
          %bitcast3A_316 = vector.bitcast %gather3A_315 : vector<16xi32> to vector<32xbf16>
          %ge3A_317 = arith.cmpf oge, %bitcast3A_316, %bitcast3A : vector<32xbf16>
          %jit3A_318 = arith.constant 1.000000e+00 : bf16
          %jit3A_319 = arith.constant 0.000000e+00 : bf16
          %broadcast_in_dim3A_320 = vector.broadcast %jit3A_318 : bf16 to vector<32xbf16>
          %broadcast_in_dim3A_321 = vector.broadcast %jit3A_319 : bf16 to vector<32xbf16>
          %select_n3A_322 = arith.select %ge3A_317, %broadcast_in_dim3A_320, %broadcast_in_dim3A_321 : vector<32xi1>, vector<32xbf16>
          %bitcast3A_323 = vector.bitcast %select_n3A_322 : vector<32xbf16> to vector<16xi32>
          %ne3A_324 = arith.constant 1065369472 : i32
          %ne3A_325 = vector.broadcast %ne3A_324 : i32 to vector<16xi32>
          %ne3A_326 = arith.cmpi ne, %bitcast3A_323, %ne3A_325 : vector<16xi32>
          %max3A_327 = arith.maximumf %bitcast3A_316, %bitcast3A : vector<32xbf16>
          %bitcast3A_328 = vector.bitcast %max3A_327 : vector<32xbf16> to vector<16xi32>
          tpu.vector_store_idx %arg8[%get3A_148], %bitcast3A_328 masked %ne3A_326 : memref<10000xi32, #tpu.memory_space<vmem>>[vector<16xi32>], vector<16xi32>, vector<16xi1>
          %gather3A_329 = tpu.vector_load_idx %arg9[%get3A_148] : memref<10000xi32, #tpu.memory_space<vmem>>[vector<16xi32>], vector<16xi32>,
          %bitcast3A_330 = vector.bitcast %gather3A_329 : vector<16xi32> to vector<32xbf16>
          %ge3A_331 = arith.cmpf oge, %bitcast3A_330, %bitcast3A_150 : vector<32xbf16>
          %jit3A_332 = arith.constant 1.000000e+00 : bf16
          %jit3A_333 = arith.constant 0.000000e+00 : bf16
          %broadcast_in_dim3A_334 = vector.broadcast %jit3A_332 : bf16 to vector<32xbf16>
          %broadcast_in_dim3A_335 = vector.broadcast %jit3A_333 : bf16 to vector<32xbf16>
          %select_n3A_336 = arith.select %ge3A_331, %broadcast_in_dim3A_334, %broadcast_in_dim3A_335 : vector<32xi1>, vector<32xbf16>
          %bitcast3A_337 = vector.bitcast %select_n3A_336 : vector<32xbf16> to vector<16xi32>
          %ne3A_338 = arith.constant 1065369472 : i32
          %ne3A_339 = vector.broadcast %ne3A_338 : i32 to vector<16xi32>
          %ne3A_340 = arith.cmpi ne, %bitcast3A_337, %ne3A_339 : vector<16xi32>
          %max3A_341 = arith.maximumf %bitcast3A_330, %bitcast3A_150 : vector<32xbf16>
          %bitcast3A_342 = vector.bitcast %max3A_341 : vector<32xbf16> to vector<16xi32>
          tpu.vector_store_idx %arg9[%get3A_148], %bitcast3A_342 masked %ne3A_340 : memref<10000xi32, #tpu.memory_space<vmem>>[vector<16xi32>], vector<16xi32>, vector<16xi1>
          %gather3A_343 = tpu.vector_load_idx %arg8[%get3A_148] : memref<10000xi32, #tpu.memory_space<vmem>>[vector<16xi32>], vector<16xi32>,
          %bitcast3A_344 = vector.bitcast %gather3A_343 : vector<16xi32> to vector<32xbf16>
          %ge3A_345 = arith.cmpf oge, %bitcast3A_344, %bitcast3A : vector<32xbf16>
          %jit3A_346 = arith.constant 1.000000e+00 : bf16
          %jit3A_347 = arith.constant 0.000000e+00 : bf16
          %broadcast_in_dim3A_348 = vector.broadcast %jit3A_346 : bf16 to vector<32xbf16>
          %broadcast_in_dim3A_349 = vector.broadcast %jit3A_347 : bf16 to vector<32xbf16>
          %select_n3A_350 = arith.select %ge3A_345, %broadcast_in_dim3A_348, %broadcast_in_dim3A_349 : vector<32xi1>, vector<32xbf16>
          %bitcast3A_351 = vector.bitcast %select_n3A_350 : vector<32xbf16> to vector<16xi32>
          %ne3A_352 = arith.constant 1065369472 : i32
          %ne3A_353 = vector.broadcast %ne3A_352 : i32 to vector<16xi32>
          %ne3A_354 = arith.cmpi ne, %bitcast3A_351, %ne3A_353 : vector<16xi32>
          %max3A_355 = arith.maximumf %bitcast3A_344, %bitcast3A : vector<32xbf16>
          %bitcast3A_356 = vector.bitcast %max3A_355 : vector<32xbf16> to vector<16xi32>
          tpu.vector_store_idx %arg8[%get3A_148], %bitcast3A_356 masked %ne3A_354 : memref<10000xi32, #tpu.memory_space<vmem>>[vector<16xi32>], vector<16xi32>, vector<16xi1>
          %gather3A_357 = tpu.vector_load_idx %arg9[%get3A_148] : memref<10000xi32, #tpu.memory_space<vmem>>[vector<16xi32>], vector<16xi32>,
          %bitcast3A_358 = vector.bitcast %gather3A_357 : vector<16xi32> to vector<32xbf16>
          %ge3A_359 = arith.cmpf oge, %bitcast3A_358, %bitcast3A_150 : vector<32xbf16>
          %jit3A_360 = arith.constant 1.000000e+00 : bf16
          %jit3A_361 = arith.constant 0.000000e+00 : bf16
          %broadcast_in_dim3A_362 = vector.broadcast %jit3A_360 : bf16 to vector<32xbf16>
          %broadcast_in_dim3A_363 = vector.broadcast %jit3A_361 : bf16 to vector<32xbf16>
          %select_n3A_364 = arith.select %ge3A_359, %broadcast_in_dim3A_362, %broadcast_in_dim3A_363 : vector<32xi1>, vector<32xbf16>
          %bitcast3A_365 = vector.bitcast %select_n3A_364 : vector<32xbf16> to vector<16xi32>
          %ne3A_366 = arith.constant 1065369472 : i32
          %ne3A_367 = vector.broadcast %ne3A_366 : i32 to vector<16xi32>
          %ne3A_368 = arith.cmpi ne, %bitcast3A_365, %ne3A_367 : vector<16xi32>
          %max3A_369 = arith.maximumf %bitcast3A_358, %bitcast3A_150 : vector<32xbf16>
          %bitcast3A_370 = vector.bitcast %max3A_369 : vector<32xbf16> to vector<16xi32>
          tpu.vector_store_idx %arg9[%get3A_148], %bitcast3A_370 masked %ne3A_368 : memref<10000xi32, #tpu.memory_space<vmem>>[vector<16xi32>], vector<16xi32>, vector<16xi1>
          %gather3A_371 = tpu.vector_load_idx %arg8[%get3A_148] : memref<10000xi32, #tpu.memory_space<vmem>>[vector<16xi32>], vector<16xi32>,
          %bitcast3A_372 = vector.bitcast %gather3A_371 : vector<16xi32> to vector<32xbf16>
          %ge3A_373 = arith.cmpf oge, %bitcast3A_372, %bitcast3A : vector<32xbf16>
          %jit3A_374 = arith.constant 1.000000e+00 : bf16
          %jit3A_375 = arith.constant 0.000000e+00 : bf16
          %broadcast_in_dim3A_376 = vector.broadcast %jit3A_374 : bf16 to vector<32xbf16>
          %broadcast_in_dim3A_377 = vector.broadcast %jit3A_375 : bf16 to vector<32xbf16>
          %select_n3A_378 = arith.select %ge3A_373, %broadcast_in_dim3A_376, %broadcast_in_dim3A_377 : vector<32xi1>, vector<32xbf16>
          %bitcast3A_379 = vector.bitcast %select_n3A_378 : vector<32xbf16> to vector<16xi32>
          %ne3A_380 = arith.constant 1065369472 : i32
          %ne3A_381 = vector.broadcast %ne3A_380 : i32 to vector<16xi32>
          %ne3A_382 = arith.cmpi ne, %bitcast3A_379, %ne3A_381 : vector<16xi32>
          %max3A_383 = arith.maximumf %bitcast3A_372, %bitcast3A : vector<32xbf16>
          %bitcast3A_384 = vector.bitcast %max3A_383 : vector<32xbf16> to vector<16xi32>
          tpu.vector_store_idx %arg8[%get3A_148], %bitcast3A_384 masked %ne3A_382 : memref<10000xi32, #tpu.memory_space<vmem>>[vector<16xi32>], vector<16xi32>, vector<16xi1>
          %gather3A_385 = tpu.vector_load_idx %arg9[%get3A_148] : memref<10000xi32, #tpu.memory_space<vmem>>[vector<16xi32>], vector<16xi32>,
          %bitcast3A_386 = vector.bitcast %gather3A_385 : vector<16xi32> to vector<32xbf16>
          %ge3A_387 = arith.cmpf oge, %bitcast3A_386, %bitcast3A_150 : vector<32xbf16>
          %jit3A_388 = arith.constant 1.000000e+00 : bf16
          %jit3A_389 = arith.constant 0.000000e+00 : bf16
          %broadcast_in_dim3A_390 = vector.broadcast %jit3A_388 : bf16 to vector<32xbf16>
          %broadcast_in_dim3A_391 = vector.broadcast %jit3A_389 : bf16 to vector<32xbf16>
          %select_n3A_392 = arith.select %ge3A_387, %broadcast_in_dim3A_390, %broadcast_in_dim3A_391 : vector<32xi1>, vector<32xbf16>
          %bitcast3A_393 = vector.bitcast %select_n3A_392 : vector<32xbf16> to vector<16xi32>
          %ne3A_394 = arith.constant 1065369472 : i32
          %ne3A_395 = vector.broadcast %ne3A_394 : i32 to vector<16xi32>
          %ne3A_396 = arith.cmpi ne, %bitcast3A_393, %ne3A_395 : vector<16xi32>
          %max3A_397 = arith.maximumf %bitcast3A_386, %bitcast3A_150 : vector<32xbf16>
          %bitcast3A_398 = vector.bitcast %max3A_397 : vector<32xbf16> to vector<16xi32>
          tpu.vector_store_idx %arg9[%get3A_148], %bitcast3A_398 masked %ne3A_396 : memref<10000xi32, #tpu.memory_space<vmem>>[vector<16xi32>], vector<16xi32>, vector<16xi1>
          %gather3A_399 = tpu.vector_load_idx %arg8[%get3A_148] : memref<10000xi32, #tpu.memory_space<vmem>>[vector<16xi32>], vector<16xi32>,
          %bitcast3A_400 = vector.bitcast %gather3A_399 : vector<16xi32> to vector<32xbf16>
          %ge3A_401 = arith.cmpf oge, %bitcast3A_400, %bitcast3A : vector<32xbf16>
          %jit3A_402 = arith.constant 1.000000e+00 : bf16
          %jit3A_403 = arith.constant 0.000000e+00 : bf16
          %broadcast_in_dim3A_404 = vector.broadcast %jit3A_402 : bf16 to vector<32xbf16>
          %broadcast_in_dim3A_405 = vector.broadcast %jit3A_403 : bf16 to vector<32xbf16>
          %select_n3A_406 = arith.select %ge3A_401, %broadcast_in_dim3A_404, %broadcast_in_dim3A_405 : vector<32xi1>, vector<32xbf16>
          %bitcast3A_407 = vector.bitcast %select_n3A_406 : vector<32xbf16> to vector<16xi32>
          %ne3A_408 = arith.constant 1065369472 : i32
          %ne3A_409 = vector.broadcast %ne3A_408 : i32 to vector<16xi32>
          %ne3A_410 = arith.cmpi ne, %bitcast3A_407, %ne3A_409 : vector<16xi32>
          %max3A_411 = arith.maximumf %bitcast3A_400, %bitcast3A : vector<32xbf16>
          %bitcast3A_412 = vector.bitcast %max3A_411 : vector<32xbf16> to vector<16xi32>
          tpu.vector_store_idx %arg8[%get3A_148], %bitcast3A_412 masked %ne3A_410 : memref<10000xi32, #tpu.memory_space<vmem>>[vector<16xi32>], vector<16xi32>, vector<16xi1>
          %gather3A_413 = tpu.vector_load_idx %arg9[%get3A_148] : memref<10000xi32, #tpu.memory_space<vmem>>[vector<16xi32>], vector<16xi32>,
          %bitcast3A_414 = vector.bitcast %gather3A_413 : vector<16xi32> to vector<32xbf16>
          %ge3A_415 = arith.cmpf oge, %bitcast3A_414, %bitcast3A_150 : vector<32xbf16>
          %jit3A_416 = arith.constant 1.000000e+00 : bf16
          %jit3A_417 = arith.constant 0.000000e+00 : bf16
          %broadcast_in_dim3A_418 = vector.broadcast %jit3A_416 : bf16 to vector<32xbf16>
          %broadcast_in_dim3A_419 = vector.broadcast %jit3A_417 : bf16 to vector<32xbf16>
          %select_n3A_420 = arith.select %ge3A_415, %broadcast_in_dim3A_418, %broadcast_in_dim3A_419 : vector<32xi1>, vector<32xbf16>
          %bitcast3A_421 = vector.bitcast %select_n3A_420 : vector<32xbf16> to vector<16xi32>
          %ne3A_422 = arith.constant 1065369472 : i32
          %ne3A_423 = vector.broadcast %ne3A_422 : i32 to vector<16xi32>
          %ne3A_424 = arith.cmpi ne, %bitcast3A_421, %ne3A_423 : vector<16xi32>
          %max3A_425 = arith.maximumf %bitcast3A_414, %bitcast3A_150 : vector<32xbf16>
          %bitcast3A_426 = vector.bitcast %max3A_425 : vector<32xbf16> to vector<16xi32>
          tpu.vector_store_idx %arg9[%get3A_148], %bitcast3A_426 masked %ne3A_424 : memref<10000xi32, #tpu.memory_space<vmem>>[vector<16xi32>], vector<16xi32>, vector<16xi1>
          %gather3A_427 = tpu.vector_load_idx %arg8[%get3A_148] : memref<10000xi32, #tpu.memory_space<vmem>>[vector<16xi32>], vector<16xi32>,
          %bitcast3A_428 = vector.bitcast %gather3A_427 : vector<16xi32> to vector<32xbf16>
          %ge3A_429 = arith.cmpf oge, %bitcast3A_428, %bitcast3A : vector<32xbf16>
          %jit3A_430 = arith.constant 1.000000e+00 : bf16
          %jit3A_431 = arith.constant 0.000000e+00 : bf16
          %broadcast_in_dim3A_432 = vector.broadcast %jit3A_430 : bf16 to vector<32xbf16>
          %broadcast_in_dim3A_433 = vector.broadcast %jit3A_431 : bf16 to vector<32xbf16>
          %select_n3A_434 = arith.select %ge3A_429, %broadcast_in_dim3A_432, %broadcast_in_dim3A_433 : vector<32xi1>, vector<32xbf16>
          %bitcast3A_435 = vector.bitcast %select_n3A_434 : vector<32xbf16> to vector<16xi32>
          %ne3A_436 = arith.constant 1065369472 : i32
          %ne3A_437 = vector.broadcast %ne3A_436 : i32 to vector<16xi32>
          %ne3A_438 = arith.cmpi ne, %bitcast3A_435, %ne3A_437 : vector<16xi32>
          %max3A_439 = arith.maximumf %bitcast3A_428, %bitcast3A : vector<32xbf16>
          %bitcast3A_440 = vector.bitcast %max3A_439 : vector<32xbf16> to vector<16xi32>
          tpu.vector_store_idx %arg8[%get3A_148], %bitcast3A_440 masked %ne3A_438 : memref<10000xi32, #tpu.memory_space<vmem>>[vector<16xi32>], vector<16xi32>, vector<16xi1>
          %gather3A_441 = tpu.vector_load_idx %arg9[%get3A_148] : memref<10000xi32, #tpu.memory_space<vmem>>[vector<16xi32>], vector<16xi32>,
          %bitcast3A_442 = vector.bitcast %gather3A_441 : vector<16xi32> to vector<32xbf16>
          %ge3A_443 = arith.cmpf oge, %bitcast3A_442, %bitcast3A_150 : vector<32xbf16>
          %jit3A_444 = arith.constant 1.000000e+00 : bf16
          %jit3A_445 = arith.constant 0.000000e+00 : bf16
          %broadcast_in_dim3A_446 = vector.broadcast %jit3A_444 : bf16 to vector<32xbf16>
          %broadcast_in_dim3A_447 = vector.broadcast %jit3A_445 : bf16 to vector<32xbf16>
          %select_n3A_448 = arith.select %ge3A_443, %broadcast_in_dim3A_446, %broadcast_in_dim3A_447 : vector<32xi1>, vector<32xbf16>
          %bitcast3A_449 = vector.bitcast %select_n3A_448 : vector<32xbf16> to vector<16xi32>
          %ne3A_450 = arith.constant 1065369472 : i32
          %ne3A_451 = vector.broadcast %ne3A_450 : i32 to vector<16xi32>
          %ne3A_452 = arith.cmpi ne, %bitcast3A_449, %ne3A_451 : vector<16xi32>
          %max3A_453 = arith.maximumf %bitcast3A_442, %bitcast3A_150 : vector<32xbf16>
          %bitcast3A_454 = vector.bitcast %max3A_453 : vector<32xbf16> to vector<16xi32>
          tpu.vector_store_idx %arg9[%get3A_148], %bitcast3A_454 masked %ne3A_452 : memref<10000xi32, #tpu.memory_space<vmem>>[vector<16xi32>], vector<16xi32>, vector<16xi1>
          %gather3A_455 = tpu.vector_load_idx %arg8[%get3A_148] : memref<10000xi32, #tpu.memory_space<vmem>>[vector<16xi32>], vector<16xi32>,
          %bitcast3A_456 = vector.bitcast %gather3A_455 : vector<16xi32> to vector<32xbf16>
          %ge3A_457 = arith.cmpf oge, %bitcast3A_456, %bitcast3A : vector<32xbf16>
          %jit3A_458 = arith.constant 1.000000e+00 : bf16
          %jit3A_459 = arith.constant 0.000000e+00 : bf16
          %broadcast_in_dim3A_460 = vector.broadcast %jit3A_458 : bf16 to vector<32xbf16>
          %broadcast_in_dim3A_461 = vector.broadcast %jit3A_459 : bf16 to vector<32xbf16>
          %select_n3A_462 = arith.select %ge3A_457, %broadcast_in_dim3A_460, %broadcast_in_dim3A_461 : vector<32xi1>, vector<32xbf16>
          %bitcast3A_463 = vector.bitcast %select_n3A_462 : vector<32xbf16> to vector<16xi32>
          %ne3A_464 = arith.constant 1065369472 : i32
          %ne3A_465 = vector.broadcast %ne3A_464 : i32 to vector<16xi32>
          %ne3A_466 = arith.cmpi ne, %bitcast3A_463, %ne3A_465 : vector<16xi32>
          %max3A_467 = arith.maximumf %bitcast3A_456, %bitcast3A : vector<32xbf16>
          %bitcast3A_468 = vector.bitcast %max3A_467 : vector<32xbf16> to vector<16xi32>
          tpu.vector_store_idx %arg8[%get3A_148], %bitcast3A_468 masked %ne3A_466 : memref<10000xi32, #tpu.memory_space<vmem>>[vector<16xi32>], vector<16xi32>, vector<16xi1>
          %gather3A_469 = tpu.vector_load_idx %arg9[%get3A_148] : memref<10000xi32, #tpu.memory_space<vmem>>[vector<16xi32>], vector<16xi32>,
          %bitcast3A_470 = vector.bitcast %gather3A_469 : vector<16xi32> to vector<32xbf16>
          %ge3A_471 = arith.cmpf oge, %bitcast3A_470, %bitcast3A_150 : vector<32xbf16>
          %jit3A_472 = arith.constant 1.000000e+00 : bf16
          %jit3A_473 = arith.constant 0.000000e+00 : bf16
          %broadcast_in_dim3A_474 = vector.broadcast %jit3A_472 : bf16 to vector<32xbf16>
          %broadcast_in_dim3A_475 = vector.broadcast %jit3A_473 : bf16 to vector<32xbf16>
          %select_n3A_476 = arith.select %ge3A_471, %broadcast_in_dim3A_474, %broadcast_in_dim3A_475 : vector<32xi1>, vector<32xbf16>
          %bitcast3A_477 = vector.bitcast %select_n3A_476 : vector<32xbf16> to vector<16xi32>
          %ne3A_478 = arith.constant 1065369472 : i32
          %ne3A_479 = vector.broadcast %ne3A_478 : i32 to vector<16xi32>
          %ne3A_480 = arith.cmpi ne, %bitcast3A_477, %ne3A_479 : vector<16xi32>
          %max3A_481 = arith.maximumf %bitcast3A_470, %bitcast3A_150 : vector<32xbf16>
          %bitcast3A_482 = vector.bitcast %max3A_481 : vector<32xbf16> to vector<16xi32>
          tpu.vector_store_idx %arg9[%get3A_148], %bitcast3A_482 masked %ne3A_480 : memref<10000xi32, #tpu.memory_space<vmem>>[vector<16xi32>], vector<16xi32>, vector<16xi1>
          %gather3A_483 = tpu.vector_load_idx %arg8[%get3A_148] : memref<10000xi32, #tpu.memory_space<vmem>>[vector<16xi32>], vector<16xi32>,
          %bitcast3A_484 = vector.bitcast %gather3A_483 : vector<16xi32> to vector<32xbf16>
          %ge3A_485 = arith.cmpf oge, %bitcast3A_484, %bitcast3A : vector<32xbf16>
          %jit3A_486 = arith.constant 1.000000e+00 : bf16
          %jit3A_487 = arith.constant 0.000000e+00 : bf16
          %broadcast_in_dim3A_488 = vector.broadcast %jit3A_486 : bf16 to vector<32xbf16>
          %broadcast_in_dim3A_489 = vector.broadcast %jit3A_487 : bf16 to vector<32xbf16>
          %select_n3A_490 = arith.select %ge3A_485, %broadcast_in_dim3A_488, %broadcast_in_dim3A_489 : vector<32xi1>, vector<32xbf16>
          %bitcast3A_491 = vector.bitcast %select_n3A_490 : vector<32xbf16> to vector<16xi32>
          %ne3A_492 = arith.constant 1065369472 : i32
          %ne3A_493 = vector.broadcast %ne3A_492 : i32 to vector<16xi32>
          %ne3A_494 = arith.cmpi ne, %bitcast3A_491, %ne3A_493 : vector<16xi32>
          %max3A_495 = arith.maximumf %bitcast3A_484, %bitcast3A : vector<32xbf16>
          %bitcast3A_496 = vector.bitcast %max3A_495 : vector<32xbf16> to vector<16xi32>
          tpu.vector_store_idx %arg8[%get3A_148], %bitcast3A_496 masked %ne3A_494 : memref<10000xi32, #tpu.memory_space<vmem>>[vector<16xi32>], vector<16xi32>, vector<16xi1>
          %gather3A_497 = tpu.vector_load_idx %arg9[%get3A_148] : memref<10000xi32, #tpu.memory_space<vmem>>[vector<16xi32>], vector<16xi32>,
          %bitcast3A_498 = vector.bitcast %gather3A_497 : vector<16xi32> to vector<32xbf16>
          %ge3A_499 = arith.cmpf oge, %bitcast3A_498, %bitcast3A_150 : vector<32xbf16>
          %jit3A_500 = arith.constant 1.000000e+00 : bf16
          %jit3A_501 = arith.constant 0.000000e+00 : bf16
          %broadcast_in_dim3A_502 = vector.broadcast %jit3A_500 : bf16 to vector<32xbf16>
          %broadcast_in_dim3A_503 = vector.broadcast %jit3A_501 : bf16 to vector<32xbf16>
          %select_n3A_504 = arith.select %ge3A_499, %broadcast_in_dim3A_502, %broadcast_in_dim3A_503 : vector<32xi1>, vector<32xbf16>
          %bitcast3A_505 = vector.bitcast %select_n3A_504 : vector<32xbf16> to vector<16xi32>
          %ne3A_506 = arith.constant 1065369472 : i32
          %ne3A_507 = vector.broadcast %ne3A_506 : i32 to vector<16xi32>
          %ne3A_508 = arith.cmpi ne, %bitcast3A_505, %ne3A_507 : vector<16xi32>
          %max3A_509 = arith.maximumf %bitcast3A_498, %bitcast3A_150 : vector<32xbf16>
          %bitcast3A_510 = vector.bitcast %max3A_509 : vector<32xbf16> to vector<16xi32>
          tpu.vector_store_idx %arg9[%get3A_148], %bitcast3A_510 masked %ne3A_508 : memref<10000xi32, #tpu.memory_space<vmem>>[vector<16xi32>], vector<16xi32>, vector<16xi1>
          %gather3A_511 = tpu.vector_load_idx %arg8[%get3A_148] : memref<10000xi32, #tpu.memory_space<vmem>>[vector<16xi32>], vector<16xi32>,
          %bitcast3A_512 = vector.bitcast %gather3A_511 : vector<16xi32> to vector<32xbf16>
          %ge3A_513 = arith.cmpf oge, %bitcast3A_512, %bitcast3A : vector<32xbf16>
          %jit3A_514 = arith.constant 1.000000e+00 : bf16
          %jit3A_515 = arith.constant 0.000000e+00 : bf16
          %broadcast_in_dim3A_516 = vector.broadcast %jit3A_514 : bf16 to vector<32xbf16>
          %broadcast_in_dim3A_517 = vector.broadcast %jit3A_515 : bf16 to vector<32xbf16>
          %select_n3A_518 = arith.select %ge3A_513, %broadcast_in_dim3A_516, %broadcast_in_dim3A_517 : vector<32xi1>, vector<32xbf16>
          %bitcast3A_519 = vector.bitcast %select_n3A_518 : vector<32xbf16> to vector<16xi32>
          %ne3A_520 = arith.constant 1065369472 : i32
          %ne3A_521 = vector.broadcast %ne3A_520 : i32 to vector<16xi32>
          %ne3A_522 = arith.cmpi ne, %bitcast3A_519, %ne3A_521 : vector<16xi32>
          %max3A_523 = arith.maximumf %bitcast3A_512, %bitcast3A : vector<32xbf16>
          %bitcast3A_524 = vector.bitcast %max3A_523 : vector<32xbf16> to vector<16xi32>
          tpu.vector_store_idx %arg8[%get3A_148], %bitcast3A_524 masked %ne3A_522 : memref<10000xi32, #tpu.memory_space<vmem>>[vector<16xi32>], vector<16xi32>, vector<16xi1>
          %gather3A_525 = tpu.vector_load_idx %arg9[%get3A_148] : memref<10000xi32, #tpu.memory_space<vmem>>[vector<16xi32>], vector<16xi32>,
          %bitcast3A_526 = vector.bitcast %gather3A_525 : vector<16xi32> to vector<32xbf16>
          %ge3A_527 = arith.cmpf oge, %bitcast3A_526, %bitcast3A_150 : vector<32xbf16>
          %jit3A_528 = arith.constant 1.000000e+00 : bf16
          %jit3A_529 = arith.constant 0.000000e+00 : bf16
          %broadcast_in_dim3A_530 = vector.broadcast %jit3A_528 : bf16 to vector<32xbf16>
          %broadcast_in_dim3A_531 = vector.broadcast %jit3A_529 : bf16 to vector<32xbf16>
          %select_n3A_532 = arith.select %ge3A_527, %broadcast_in_dim3A_530, %broadcast_in_dim3A_531 : vector<32xi1>, vector<32xbf16>
          %bitcast3A_533 = vector.bitcast %select_n3A_532 : vector<32xbf16> to vector<16xi32>
          %ne3A_534 = arith.constant 1065369472 : i32
          %ne3A_535 = vector.broadcast %ne3A_534 : i32 to vector<16xi32>
          %ne3A_536 = arith.cmpi ne, %bitcast3A_533, %ne3A_535 : vector<16xi32>
          %max3A_537 = arith.maximumf %bitcast3A_526, %bitcast3A_150 : vector<32xbf16>
          %bitcast3A_538 = vector.bitcast %max3A_537 : vector<32xbf16> to vector<16xi32>
          tpu.vector_store_idx %arg9[%get3A_148], %bitcast3A_538 masked %ne3A_536 : memref<10000xi32, #tpu.memory_space<vmem>>[vector<16xi32>], vector<16xi32>, vector<16xi1>
          %gather3A_539 = tpu.vector_load_idx %arg8[%get3A_148] : memref<10000xi32, #tpu.memory_space<vmem>>[vector<16xi32>], vector<16xi32>,
          %bitcast3A_540 = vector.bitcast %gather3A_539 : vector<16xi32> to vector<32xbf16>
          %ge3A_541 = arith.cmpf oge, %bitcast3A_540, %bitcast3A : vector<32xbf16>
          %jit3A_542 = arith.constant 1.000000e+00 : bf16
          %jit3A_543 = arith.constant 0.000000e+00 : bf16
          %broadcast_in_dim3A_544 = vector.broadcast %jit3A_542 : bf16 to vector<32xbf16>
          %broadcast_in_dim3A_545 = vector.broadcast %jit3A_543 : bf16 to vector<32xbf16>
          %select_n3A_546 = arith.select %ge3A_541, %broadcast_in_dim3A_544, %broadcast_in_dim3A_545 : vector<32xi1>, vector<32xbf16>
          %bitcast3A_547 = vector.bitcast %select_n3A_546 : vector<32xbf16> to vector<16xi32>
          %ne3A_548 = arith.constant 1065369472 : i32
          %ne3A_549 = vector.broadcast %ne3A_548 : i32 to vector<16xi32>
          %ne3A_550 = arith.cmpi ne, %bitcast3A_547, %ne3A_549 : vector<16xi32>
          %max3A_551 = arith.maximumf %bitcast3A_540, %bitcast3A : vector<32xbf16>
          %bitcast3A_552 = vector.bitcast %max3A_551 : vector<32xbf16> to vector<16xi32>
          tpu.vector_store_idx %arg8[%get3A_148], %bitcast3A_552 masked %ne3A_550 : memref<10000xi32, #tpu.memory_space<vmem>>[vector<16xi32>], vector<16xi32>, vector<16xi1>
          %gather3A_553 = tpu.vector_load_idx %arg9[%get3A_148] : memref<10000xi32, #tpu.memory_space<vmem>>[vector<16xi32>], vector<16xi32>,
          %bitcast3A_554 = vector.bitcast %gather3A_553 : vector<16xi32> to vector<32xbf16>
          %ge3A_555 = arith.cmpf oge, %bitcast3A_554, %bitcast3A_150 : vector<32xbf16>
          %jit3A_556 = arith.constant 1.000000e+00 : bf16
          %jit3A_557 = arith.constant 0.000000e+00 : bf16
          %broadcast_in_dim3A_558 = vector.broadcast %jit3A_556 : bf16 to vector<32xbf16>
          %broadcast_in_dim3A_559 = vector.broadcast %jit3A_557 : bf16 to vector<32xbf16>
          %select_n3A_560 = arith.select %ge3A_555, %broadcast_in_dim3A_558, %broadcast_in_dim3A_559 : vector<32xi1>, vector<32xbf16>
          %bitcast3A_561 = vector.bitcast %select_n3A_560 : vector<32xbf16> to vector<16xi32>
          %ne3A_562 = arith.constant 1065369472 : i32
          %ne3A_563 = vector.broadcast %ne3A_562 : i32 to vector<16xi32>
          %ne3A_564 = arith.cmpi ne, %bitcast3A_561, %ne3A_563 : vector<16xi32>
          %max3A_565 = arith.maximumf %bitcast3A_554, %bitcast3A_150 : vector<32xbf16>
          %bitcast3A_566 = vector.bitcast %max3A_565 : vector<32xbf16> to vector<16xi32>
          tpu.vector_store_idx %arg9[%get3A_148], %bitcast3A_566 masked %ne3A_564 : memref<10000xi32, #tpu.memory_space<vmem>>[vector<16xi32>], vector<16xi32>, vector<16xi1>
        }
        %scan3A_136 = arith.constant 500 : i32
      } else {
      }
    }
    %scan3A_35 = arith.constant 20 : i32
    %mul3A_36 = arith.constant 20000 : i32
    %mul3A_37 = arith.muli %add3A, %mul3A_36 : i32
    %add3A_38 = arith.constant 0 : i32
    %add3A_39 = arith.addi %mul3A_37, %add3A_38 : i32
    "tpu.region"() ({
      %run_scoped3A = tpu.sem_alloc : memref<!tpu.dma_semaphore, #tpu.memory_space<semaphore_mem>>
      %dma_start3A_44 = tpu.memref_slice %arg5[%add3A_39] : memref<640000xi32, #tpu.memory_space<hbm>> -> memref<10000xi32, #tpu.memory_space<hbm>>
      %dma_start3A_45 = tpu.memref_slice %arg5[%add3A_39] : memref<640000xi32, #tpu.memory_space<hbm>> -> memref<10000xi32, #tpu.memory_space<hbm>>
      tpu.enqueue_dma source(%arg8 : memref<10000xi32, #tpu.memory_space<vmem>>) target(%dma_start3A_45 : memref<10000xi32, #tpu.memory_space<hbm>>) target_semaphore(%run_scoped3A : memref<!tpu.dma_semaphore, #tpu.memory_space<semaphore_mem>>)
      %dma_wait3A = tpu.memref_slice %arg5[%add3A_39] : memref<640000xi32, #tpu.memory_space<hbm>> -> memref<10000xi32, #tpu.memory_space<hbm>>
      %dma_wait3A_46 = tpu.memref_slice %arg5[%add3A_39] : memref<640000xi32, #tpu.memory_space<hbm>> -> memref<10000xi32, #tpu.memory_space<hbm>>
      tpu.wait_dma2 semaphore(%run_scoped3A : memref<!tpu.dma_semaphore, #tpu.memory_space<semaphore_mem>>) src(%arg8 : memref<10000xi32, #tpu.memory_space<vmem>>) dst(%dma_wait3A_46 : memref<10000xi32, #tpu.memory_space<hbm>>)
      tpu.yield
    }) : () -> ()
    %mul3A_40 = arith.constant 20000 : i32
    %mul3A_41 = arith.muli %add3A, %mul3A_40 : i32
    %add3A_42 = arith.constant 10000 : i32
    %add3A_43 = arith.addi %mul3A_41, %add3A_42 : i32
    "tpu.region"() ({
      %run_scoped3A = tpu.sem_alloc : memref<!tpu.dma_semaphore, #tpu.memory_space<semaphore_mem>>
      %dma_start3A_44 = tpu.memref_slice %arg5[%add3A_43] : memref<640000xi32, #tpu.memory_space<hbm>> -> memref<10000xi32, #tpu.memory_space<hbm>>
      %dma_start3A_45 = tpu.memref_slice %arg5[%add3A_43] : memref<640000xi32, #tpu.memory_space<hbm>> -> memref<10000xi32, #tpu.memory_space<hbm>>
      tpu.enqueue_dma source(%arg9 : memref<10000xi32, #tpu.memory_space<vmem>>) target(%dma_start3A_45 : memref<10000xi32, #tpu.memory_space<hbm>>) target_semaphore(%run_scoped3A : memref<!tpu.dma_semaphore, #tpu.memory_space<semaphore_mem>>)
      %dma_wait3A = tpu.memref_slice %arg5[%add3A_43] : memref<640000xi32, #tpu.memory_space<hbm>> -> memref<10000xi32, #tpu.memory_space<hbm>>
      %dma_wait3A_46 = tpu.memref_slice %arg5[%add3A_43] : memref<640000xi32, #tpu.memory_space<hbm>> -> memref<10000xi32, #tpu.memory_space<hbm>>
      tpu.wait_dma2 semaphore(%run_scoped3A : memref<!tpu.dma_semaphore, #tpu.memory_space<semaphore_mem>>) src(%arg9 : memref<10000xi32, #tpu.memory_space<vmem>>) dst(%dma_wait3A_46 : memref<10000xi32, #tpu.memory_space<hbm>>)
      tpu.yield
    }) : () -> ()
    return
  }
}

module attributes {stable_mosaic.version = 14 : i64} {
  func.func @_dense_body(%arg0: i32, %arg1: memref<400x128xf32, #tpu.memory_space<vmem>>, %arg2: memref<400x128xbf16, #tpu.memory_space<vmem>>, %arg3: memref<256x128xf32, #tpu.memory_space<vmem>>, %arg4: memref<1x128xf32, #tpu.memory_space<vmem>>, %arg5: memref<400x128xf32, #tpu.memory_space<vmem>>) attributes {dimension_semantics = [#tpu.dimension_semantics<arbitrary>], iteration_bounds = array<i64: 25>, scalar_prefetch = 0 : i64, scratch_operands = 0 : i64, tpu.core_type = #tpu.core_type<tc>, window_params = [{transform_indices = @transform_0, window_bounds = array<i64: 400, 128>}, {transform_indices = @transform_1, window_bounds = array<i64: 400, 128>}, {pipeline_mode = #tpu.pipeline_mode<synchronous>, transform_indices = @transform_2, window_bounds = array<i64: 256, 128>}, {pipeline_mode = #tpu.pipeline_mode<synchronous>, transform_indices = @transform_3, window_bounds = array<i64: 1, 128>}, {transform_indices = @transform_4, window_bounds = array<i64: 400, 128>}]} {
    %get3A = arith.constant 0 : index
    %get3A_0 = arith.constant 0 : index
    %get3A_1 = vector.load %arg1[%get3A, %get3A_0] : memref<400x128xf32, #tpu.memory_space<vmem>>, vector<400x128xf32>
    %get3A_2 = arith.constant 0 : index
    %get3A_3 = arith.constant 0 : index
    %get3A_4 = vector.load %arg2[%get3A_2, %get3A_3] : memref<400x128xbf16, #tpu.memory_space<vmem>>, vector<400x128xbf16>
    %convert_element_type3A = arith.extf %get3A_4 : vector<400x128xbf16> to vector<400x128xf32>
    %eq3A = arith.constant 0xFF800000 : f32
    %eq3A_5 = vector.broadcast %eq3A : f32 to vector<400x128xf32>
    %eq3A_6 = arith.cmpf oeq, %convert_element_type3A, %eq3A_5 : vector<400x128xf32>
    %sub3A = arith.subf %convert_element_type3A, %get3A_1 : vector<400x128xf32>
    %jit3A = arith.constant 0.000000e+00 : f32
    %broadcast_in_dim3A = vector.broadcast %jit3A : f32 to vector<400x128xf32>
    %select_n3A = arith.select %eq3A_6, %broadcast_in_dim3A, %sub3A : vector<400x128xi1>, vector<400x128xf32>
    %get3A_7 = arith.constant 0 : index
    %get3A_8 = arith.constant 0 : index
    %get3A_9 = vector.load %arg3[%get3A_7, %get3A_8] : memref<256x128xf32, #tpu.memory_space<vmem>>, vector<128x128xf32>
    %dot_general3A = arith.constant dense<0.000000e+00> : vector<400x128xf32>
    %dot_general3A_10 = tpu.matmul %get3A_1, %get3A_9, %dot_general3A {dimension_numbers = #tpu.dot_dimension_numbers<[1], [0], [0], [1], [0, 0, 1, 1], [], []>, transpose_lhs_hint = false} : vector<400x128xf32>, vector<128x128xf32>, vector<400x128xf32> -> vector<400x128xf32>
    %get3A_11 = arith.constant 128 : index
    %get3A_12 = arith.constant 0 : index
    %get3A_13 = vector.load %arg3[%get3A_11, %get3A_12] : memref<256x128xf32, #tpu.memory_space<vmem>>, vector<128x128xf32>
    %dot_general3A_14 = arith.constant dense<0.000000e+00> : vector<400x128xf32>
    %dot_general3A_15 = tpu.matmul %select_n3A, %get3A_13, %dot_general3A_14 {dimension_numbers = #tpu.dot_dimension_numbers<[1], [0], [0], [1], [0, 0, 1, 1], [], []>, transpose_lhs_hint = false} : vector<400x128xf32>, vector<128x128xf32>, vector<400x128xf32> -> vector<400x128xf32>
    %add3A = arith.addf %dot_general3A_10, %dot_general3A_15 : vector<400x128xf32>
    %get3A_16 = arith.constant 0 : index
    %get3A_17 = arith.constant 0 : index
    %get3A_18 = vector.load %arg4[%get3A_16, %get3A_17] : memref<1x128xf32, #tpu.memory_space<vmem>>, vector<1x128xf32>
    %add3A_19 = vector.broadcast %get3A_18 : vector<1x128xf32> to vector<400x128xf32>
    %add3A_20 = arith.addf %add3A, %add3A_19 : vector<400x128xf32>
    %max3A = arith.constant 0.000000e+00 : f32
    %max3A_21 = vector.broadcast %max3A : f32 to vector<400x128xf32>
    %max3A_22 = arith.maximumf %add3A_20, %max3A_21 : vector<400x128xf32>
    %swap3A = arith.constant 0 : index
    %swap3A_23 = arith.constant 0 : index
    %swap3A_24 = vector.load %arg5[%swap3A, %swap3A_23] : memref<400x128xf32, #tpu.memory_space<vmem>>, vector<400x128xf32>
    tpu.vector_store %arg5[%swap3A, %swap3A_23], %max3A_22 {strides = array<i32>} : memref<400x128xf32, #tpu.memory_space<vmem>>, vector<400x128xf32>,
    return
  }
  func.func @transform_0(%arg0: i32) -> (i32, i32) {
    %c0_i32 = arith.constant 0 : i32
    %c0_i32_0 = arith.constant 0 : i32
    return %arg0, %c0_i32 : i32, i32
  }
  func.func @transform_1(%arg0: i32) -> (i32, i32) {
    %c0_i32 = arith.constant 0 : i32
    %c0_i32_0 = arith.constant 0 : i32
    return %arg0, %c0_i32 : i32, i32
  }
  func.func @transform_2(%arg0: i32) -> (i32, i32) {
    %c0_i32 = arith.constant 0 : i32
    %c0_i32_0 = arith.constant 0 : i32
    %c0_i32_1 = arith.constant 0 : i32
    return %c0_i32, %c0_i32_0 : i32, i32
  }
  func.func @transform_3(%arg0: i32) -> (i32, i32) {
    %c0_i32 = arith.constant 0 : i32
    %c0_i32_0 = arith.constant 0 : i32
    %c0_i32_1 = arith.constant 0 : i32
    return %c0_i32, %c0_i32_0 : i32, i32
  }
  func.func @transform_4(%arg0: i32) -> (i32, i32) {
    %c0_i32 = arith.constant 0 : i32
    %c0_i32_0 = arith.constant 0 : i32
    return %arg0, %c0_i32 : i32, i32
  }
}

</mosaic_0001>

<sc_bundles>
// kernel: kernel.4.cloned.1.call-start
scs
__scs_entry_jumppad:
0x0: {  	(pc) =	sbr.rel $0x88, $3  }
0x1: {  	(tag) =	ssettag $0x0;
	lr =	simm.s32 $0x1  }
0x2: {  	[smem:$0x3F9D] =	sst lr;
	_ =	strace $0xD0000000  }
0x3: {  	_ = 	snop  }
0x4: {  	_ = 	snop  }
0x5: {  	_ = 	snop  }
0x6: {  	_ = 	snop  }
0x7: {  	_ = 	snop  }
__scs_overlays_trampoline_lowered:
0x8: {  	[smem:$0x3FAC] =	sst s0  }
0x9: {  	[smem:$0x3FAD] =	sst s1  }
0xa: {  	[smem:$0x3FAE] =	sst s2  }
0xb: {  	[smem:$0x3FAF] =	sst s3  }
0xc: {  	[smem:$0x3FB0] =	sst s4  }
0xd: {  	[smem:$0x3FB1] =	sst s5  }
0xe: {  	[smem:$0x3FB2] =	sst s6  }
0xf: {  	[smem:$0x3FB3] =	sst s7  }
0x10: {  	[smem:$0x3FB4] =	sst s8  }
0x11: {  	[smem:$0x3FB5] =	sst s9;
	s0 =	simm.s32 @!p0 $0x0  }
0x12: {  	s1 =	sld [smem:$0x3F9B];
	s0 =	simm.s32 @p0 $0x1  }
0x13: {  	[smem:$0x3FB6] =	sst s0;
	s0 =	simm.s32 @!p1 $0x0  }
0x14: {  	s2 =	sld [smem:$0x3F9A];
	s0 =	simm.s32 @p1 $0x1  }
0x15: {  	[smem:$0x3FB7] =	sst s0;
	s0 =	simm.s32 @!p2 $0x0  }
0x16: {  	s3 =	sld [smem:$0x3FDB];
	s0 =	simm.s32 @p2 $0x1  }
0x17: {  	s4 =	simm.s32 $0x1BF5;
	[smem:$0x3FB9] =	sst s0  }
0x18: {  	s0 =	sld [smem:$0x3F9C];
	_ =	swait.ge [sflag:s4], $0x0  }
0x19: {  	s7 =	sld [smem:$0x3F9D]  }
0x1a: {  	s8 =	sadd.s32 $0xFFFFE003, lr  }
0x1b: {  	s9 =	sadd.s32 $0xFFFFFEF7, lr;
	s5 =	simm.s32 $0xFFFFFFFF;
	p2 =	slt.u32 s8, $0xFFFFF086  }
0x1c: {  	p1 =	slt.u32 s9, $0xF7A;
	s5 =	simm.s32 @!p2 $0x0  }
0x1d: {  	s5 =	simm.s32 @p1 $0x1;
	p0 =	seq.s32 s7, s2  }
0x1e: {  	s7 =	smul.u32 @!p0 $0xF7A, s2;
	p2 =	seq.s32 @!p0 s5, $0x0  }
0x1f: {  	s9 =	smul.u32 $0xF7A, s1;
	s8 =	simm.s32 @!p0 $0x1BF5;
	p2 =	por !p2, p0  }
0x20: {  	[sflag:s8] =	ssyncset.s32 @!p0 $0xFFFFF086;
	s6 =	sadd.s32 @!p0 s3, s7;
	s7 =	simm.s32 @!p0 $0x108  }
0x21: {  	s3 =	sadd.s32 s3, s9;
	s6 =	sadd.s32 @!p0 $0x88, s6;
	s7 =	simm.s32 @p2 $0x1082  }
0x22: {  	[simem:s7], [sflag:s8] =	dma.local @!p0 [hbm:s6], $0xF7A  }
0x23: {  	s9 =	sor.u32 $0xD0000000, s2;
	s6 =	simm.s32 $0x108;
	_ =	swait.ge @!p0 [sflag:s8], $0x0  }
0x24: {  	s3 =	sadd.s32 $0x88, s3;
	s6 =	simm.s32 @!p1 $0x1082;
	[sflag:s4] =	ssyncset.s32 $0xFFFFF086  }
0x25: {  	[simem:s6], [sflag:s4] =	dma.local [hbm:s3], $0xF7A  }
0x26: {  	[smem:$0x3F9D] =	sst s1;
	(tag) =	ssettag s2;
	_ =	strace s9  }
0x27: {  	s1 =	sld [smem:$0x3FAD]  }
0x28: {  	s2 =	sld [smem:$0x3FAE]  }
0x29: {  	s4 =	sld [smem:$0x3FB0]  }
0x2a: {  	p0 =	seq.s32 s5, $0x0;
	s5 =	sld [smem:$0x3FB1]  }
0x2b: {  	s6 =	sld [smem:$0x3FB2]  }
0x2c: {  	s7 =	sld [smem:$0x3FB3]  }
0x2d: {  	s3 =	simm.s32 $0x108;
	s8 =	sld [smem:$0x3FB4]  }
0x2e: {  	s3 =	simm.s32 @!p0 $0x1082;
	s9 =	sld [smem:$0x3FB5]  }
0x2f: {  	lr =	sadd.s32 s0, s3;
	s0 =	sld [smem:$0x3FAC]  }
0x30: {  	s3 =	sld [smem:$0x3FAF]  }
0x31: {  	[smem:$0x3FB8] =	sst s10  }
0x32: {  	s10 =	sld [smem:$0x3FB6];
	_ =	sdelay $0x3  }
0x33: {  	p0 =	seq.s32 s10, $0x1;
	s10 =	sld [smem:$0x3FB8];
	_ =	sdelay $0x3  }
0x34: {  	[smem:$0x3FB8] =	sst s10  }
0x35: {  	s10 =	sld [smem:$0x3FB7];
	_ =	sdelay $0x3  }
0x36: {  	p1 =	seq.s32 s10, $0x1;
	s10 =	sld [smem:$0x3FB8];
	_ =	sdelay $0x3  }
0x37: {  	[smem:$0x3FB8] =	sst s10  }
0x38: {  	s10 =	sld [smem:$0x3FB9]  }
0x39: {  	_ = 	snop;
	(pc) =	sbr.ind lr, $3  }
0x3a: {  	_ = 	snop  }
0x3b: {  	_ = 	snop  }
0x3c: {  	p2 =	seq.s32 s10, $0x1;
	s10 =	sld [smem:$0x3FB8]  }
0x3d: {  	_ =	shalt  }
0x3e: {  	_ =	shalt  }
0x3f: {  	_ =	shalt  }
0x40: {  	_ =	shalt  }
0x41: {  	_ =	shalt  }
0x42: {  	_ =	shalt  }
0x43: {  	_ =	shalt  }
0x44: {  	_ =	shalt  }
0x45: {  	_ =	shalt  }
0x46: {  	_ =	shalt  }
0x47: {  	_ =	shalt  }
0x48: {  	_ =	shalt  }
0x49: {  	_ =	shalt  }
0x4a: {  	_ =	shalt  }
0x4b: {  	_ =	shalt  }
0x4c: {  	_ =	shalt  }
0x4d: {  	_ =	shalt  }
0x4e: {  	_ =	shalt  }
0x4f: {  	_ =	shalt  }
0x50: {  	_ =	shalt  }
0x51: {  	_ =	shalt  }
0x52: {  	_ =	shalt  }
0x53: {  	_ =	shalt  }
0x54: {  	_ =	shalt  }
0x55: {  	_ =	shalt  }
0x56: {  	_ =	shalt  }
0x57: {  	_ =	shalt  }
0x58: {  	_ =	shalt  }
0x59: {  	_ =	shalt  }
0x5a: {  	_ =	shalt  }
0x5b: {  	_ =	shalt  }
0x5c: {  	_ =	shalt  }
0x5d: {  	_ =	shalt  }
0x5e: {  	_ =	shalt  }
0x5f: {  	_ =	shalt  }
0x60: {  	_ =	shalt  }
0x61: {  	_ =	shalt  }
0x62: {  	_ =	shalt  }
0x63: {  	_ =	shalt  }
0x64: {  	_ =	shalt  }
0x65: {  	_ =	shalt  }
0x66: {  	_ =	shalt  }
0x67: {  	_ =	shalt  }
0x68: {  	_ =	shalt  }
0x69: {  	_ =	shalt  }
0x6a: {  	_ =	shalt  }
0x6b: {  	_ =	shalt  }
0x6c: {  	_ =	shalt  }
0x6d: {  	_ =	shalt  }
0x6e: {  	_ =	shalt  }
0x6f: {  	_ =	shalt  }
0x70: {  	_ =	shalt  }
0x71: {  	_ =	shalt  }
0x72: {  	_ =	shalt  }
0x73: {  	_ =	shalt  }
0x74: {  	_ =	shalt  }
0x75: {  	_ =	shalt  }
0x76: {  	_ =	shalt  }
0x77: {  	_ =	shalt  }
0x78: {  	_ =	shalt  }
0x79: {  	_ =	shalt  }
0x7a: {  	_ =	shalt  }
0x7b: {  	_ =	shalt  }
0x7c: {  	_ =	shalt  }
0x7d: {  	_ =	shalt  }
0x7e: {  	_ =	shalt  }
0x7f: {  	_ =	shalt  }
0x80: {  	_ =	shalt  }
0x81: {  	_ =	shalt  }
0x82: {  	_ =	shalt  }
0x83: {  	_ =	shalt  }
0x84: {  	_ =	shalt  }
0x85: {  	_ =	shalt  }
0x86: {  	_ =	shalt  }
0x87: {  	_ =	shalt  }
.Lfunc_end0:
.L_simem_size_0:
called_computation_lowered:
.L_overlay_start_0:
0x88: {  	s2 =	sld [smem:$0x3FD9]  }
0x89: {  	s3 =	sld [smem:$0x3FFE];
	_ =	sdelay $0x1  }
0x8a: {  	s1 =	srdreg.scid  }
0x8b: {  	s0 =	sand.u32 $0x1, s1  }
0x8c: {  	s17 =	sshll.u32 s0, $0xA;
	s2 =	sadd.s32 s3, s2  }
0x8d: {  	s2 =	sadd.s32 s2, s17  }
0x8e: {  	[smem:$0x3FC4] =	sst s2  }
0x8f: {  	_ = 	snop  }
0x90: {  	s2 =	sld [smem:$0x3FD0];
	(tm) =	ssettm $0x1  }
0x91: {  	s18 =	sld [smem:$0x3FFB];
	_ =	sdelay $0x3  }
0x92: {  	_ =	strace s18  }
0x93: {  	s3 =	sld [smem:$0x3FFC];
	_ =	sdelay $0x3  }
0x94: {  	_ =	strace s3  }
0x95: {  	s3 =	sld [smem:$0x3FFD];
	_ =	sdelay $0x3  }
0x96: {  	_ =	strace s3  }
0x97: {  	_ =	strace $0x8FFFFFFF  }
0x98: {  	s19 =	sld [smem:$0x3FDB];
	_ =	sdelay $0x1  }
0x99: {  	s4 =	simm.s32 $_scs_section_size  }
0x9a: {  	s5 =	simm.s32 $_size__tile_overlayer_lowered;
	s6 =	simm.s32 $_tile_overlayer_lowered  }
0x9b: {  	s22 =	simm.s32 $0x1BFF;
	s21 =	sshll.u32 s6, $0x1;
	s3 =	sadd.s32 s4, s19  }
0x9c: {  	s7 =	simm.s32 $0x0;
	s20 =	sshll.u32 s5, $0x1;
	s5 =	sadd.s32 s21, s3  }
0x9d: {  	[timem:s7], [sflag:s22] =	dma.local [hbm:s5], s20  }
0x9e: {  	_ =	swait.ge [sflag:s22], s20  }
0x9f: {  	s4 =	ssub.s32 $0x0, s20;
	[sflag:s22] =	ssyncset.done $0x0  }
0xa0: {  	[sflag:s22] =	ssyncadd.s32 s4;
	_ =	sdelay $0x1  }
0xa1: {  	s23 =	simm.s32 $0x1B8B  }
0xa2: {  	_ =	swait.ge [sflag:s23], $0x1  }
0xa3: {  	[sflag:s23] =	ssyncset.done $0x0  }
0xa4: {  	s25 =	simm.s32 $0x1B8E;
	s24 =	sld [smem:$0x3FFE];
	[sflag:s23] =	ssyncadd.s32 $0xFFFFFFFF  }
0xa5: {  	s26 =	simm.s32 $execute0_lowered;
	[smem:$0x3FD2] =	sst s25  }
0xa6: {  	s5 =	sshll.u32 s26, $0x1;
	_ =	strace $0x80000046;
	[dreg:$0x1] =	wrdreg $0xFFFFFFFF  }
0xa7: {  	s28 =	simm.s32 $_size_execute0_lowered;
	s3 =	sadd.s32 s3, s5;
	[dreg:$0x0] =	wrdreg $0x0  }
0xa8: {  	s5 =	sshll.u32 s28, $0x1;
	[dreg:$0x2] =	wrdreg s3  }
0xa9: {  	[dreg:$0x3] =	wrdreg s5  }
0xaa: {  	[dreg:$0x4] =	wrdreg $0xC0  }
0xab: {  	_ =	task [dreg:s7], $0x5FFFF  }
0xac: {  	[dreg:$0x1] =	wrdreg $0xFFFFFFFF  }
0xad: {  	[dreg:$0x0] =	wrdreg $0x60  }
0xae: {  	[dreg:$0x2] =	wrdreg s2  }
0xaf: {  	[dreg:$0x3] =	wrdreg s24  }
0xb0: {  	[dreg:$0x4] =	wrdreg $0x9  }
0xb1: {  	_ =	task.clear_ibuf [dreg:s7], $0x5FFFF;
	_ =	strace $0x90000046  }
0xb2: {  	s29 =	simm.s32 $0x9;
	_ =	strace $0x80000048  }
0xb3: {  	_ =	swait.ge [sflag:s29], $0x1  }
0xb4: {  	[sflag:s29] =	ssyncadd.s32 $0xFFFFFFFF  }
0xb5: {  	_ =	strace $0x90000048  }
0xb6: {  	_ =	sfence  }
0xb7: {  	s30 =	sld [smem:$0x0];
	_ =	sdelay $0x2  }
0xb8: {  	s31 =	sshll.u32 s1, $0xD;
	s1 =	sshrl.u32 s1, $0x2  }
0xb9: {  	s3 =	sand.u32 $0x4000, s31;
	s1 =	sadd.s32 s1, s30  }
0xba: {  	s0 =	sor.u32 s3, s0;
	s1 =	sshll.u32 s1, $0x11  }
0xbb: {  	s0 =	sor.u32 s1, s0  }
0xbc: {  	s0 =	sadd.s32 $0x8F2B, s0  }
0xbd: {  	[sflag:s0] =	ssyncadd.remote.s32 $0x1  }
0xbe: {  	_ =	sfence.sel $0xFFFF  }
0xbf: {  	[dreg:$0x0] =	wrdreg $0xFFFFFFFF;
	(pc) =	sbr.abs _section_cstart, $3  }
0xc0: {  	[dreg:$0x1] =	wrdreg $0xFFFFFFFF  }
0xc1: {  	_ =	task.clear_ibuf [dreg:s7], $0x2FFFF;
	_ =	strace $0x9FFFFFFF  }
0xc2: {  	(tm) =	ssettm $0x7FFFFFFF  }
0xc3: {  	_ =	shalt  }
tec
execute0_lowered:
.L_overlay_start_1:
0x0: {  	(tag) =	ssettag $0x1  }
0x1: {  	s6 =	rddreg [dreg:$0x0]  }
0x2: {  	s5 =	rddreg [dreg:$0x1]  }
0x3: {  	s0 =	rddreg [dreg:$0x2];
	s3 =	srdreg.scid  }
0x4: {  	s1 =	stileid.u32;
	s2 =	simm.s32 $0x0;
	s12 =	simm.s32 $0x9E00  }
0x5: {  	s13 =	simm.s32 $0xDC80;
	s14 =	simm.s32 $0x1;
	s15 =	simm.s32 $0xBD40  }
0x6: {  	s16 =	simm.s32 $0xFBC0;
	s17 =	simm.s32 $0x4F00;
	s18 =	simm.s32 $0x7680  }
0x7: {  	s19 =	simm.s32 $0x2;
	s7 =	sand.u32 $0x1, s3;
	s30 =	sshll.u32 s1, $0x1  }
0x8: {  	s20 =	simm.s32 $0x0;
	[smem:$0x7FF] =	sst s2;
	s3 =	sor.u32 s7, s30  }
0x9: {  	s4 =	sadd.s32 $0x400, s5;
	s9 =	sadd.s32 $0x14000, s5;
	s8 =	smul.u32 $0x4E20, s3  }
.Ltmp0:
0xa: {  	_ =	strace $0x80000047;
	s7 =	ssub.s32 $0x2, s7;
	(pc) =	sbr.rel .LBB2_1-.Ltmp0, $4  }
0xb: {  	s3 =	sadd.s32 $0xA200, s5;
	s31 =	sshrl.u32 s7, $0x1;
	s8 =	sshrl.u32 s8, $0x3  }
0xc: {  	s10 =	ssub.s32 s7, s31;
	s5 =	sadd.s32 s6, s8;
	s11 =	sadd.s32 $0x4E2, s8  }
0xd: {  	v0 =	vimm.s32 $0xFF80FF80;
	s7 =	sadd.s32 s9, s8;
	s6 =	sadd.s32 s6, s11;
	s8 =	sadd.s32 s9, s11  }
0xe: {  	v1 =	vimm.s32 $0x0;
	v2 =	vimm.bf16 $0.0e+00;
	v3 =	vimm.bf16 $1.0000e+00;
	s9 =	smax.u32 s10, $0x1;
	s10 =	simm.s32 $0x3;
	s11 =	simm.s32 $0x2780  }
.LBB2_13:
0xf: {  	[hbm4b:s7+s2] =	stream.linear.scatter [tilespmem:s17], [sflag:$0x3], $0x2710, $0x38;
	[tilespmem:$0x11B00] =	vst v63  }
0x10: {  	s20 =	sadd.s32 $0x1, s20;
	_ =	swait.ge [sflag:s10], $0x2710  }
0x11: {  	p0 =	sne.s32 s20, s9;
	[sflag:s10] =	ssyncset.done $0x0  }
.Ltmp1:
0x12: {  	[sflag:s10] =	ssyncadd.s32 $0xFFFFD8F0;
	(pc) =	sbr.rel @!p0 .LBB2_14-.Ltmp1, $4  }
0x13: {  	[hbm4b:s8+s2] =	stream.linear.scatter [tilespmem:s18], [sflag:$0x3], $0x2710, $0x38;
	[tilespmem:$0x11B00] =	vst v63  }
0x14: {  	_ =	swait.ge [sflag:s10], $0x2710  }
0x15: {  	[sflag:s10] =	ssyncset.done $0x0  }
0x16: {  	[sflag:s10] =	ssyncadd.s32 $0xFFFFD8F0  }
.LBB2_1:
0x17: {  	[tilespmem:s2], [sflag:$0x3] =	stream.linear.gather [hbm4b:s5+s2], $0x2710, $0x38;
	[tilespmem:$0x11B00] =	vst v63  }
0x18: {  	_ =	swait.ge [sflag:s10], $0x2710  }
0x19: {  	[sflag:s10] =	ssyncset.done $0x0  }
0x1a: {  	[sflag:s10] =	ssyncadd.s32 $0xFFFFD8F0  }
0x1b: {  	[tilespmem:s11], [sflag:$0x3] =	stream.linear.gather [hbm4b:s6+s2], $0x2710, $0x38;
	[tilespmem:$0x11B00] =	vst v63  }
0x1c: {  	_ =	swait.ge [sflag:s10], $0x2710  }
0x1d: {  	[sflag:s10] =	ssyncset.done $0x0  }
0x1e: {  	s21 =	simm.s32 $0x40;
	s22 =	simm.s32 $0x0;
	[sflag:s10] =	ssyncadd.s32 $0xFFFFD8F0  }
.LBB2_2:
0x1f: {  	p0 =	sne.s32 s21, $0x9C00;
	[tilespmem:s22+$0x4F00] =	vst v0;
	s23 =	smov.u32 s21;
	s21 =	sadd.s32 $0x40, s21  }
.Ltmp2:
0x20: {  	[tilespmem:s22+$0x7680] =	vst v0;
	(pc) =	sbr.rel @p0 .LBB2_2-.Ltmp2, $2  }
0x21: {  	_ =	sdelay $0x2  }
0x22: {  	s22 =	sshra.s32 s23, $0x2  }
.Ltmp3:
0x23: {  	[tilespmem:s22+$0x4F00] =	vst v0;
	(pc) =	sbr.rel .LBB2_4-.Ltmp3, $4  }
0x24: {  	[tilespmem:s22+$0x7680] =	vst v0;
	s21 =	simm.s32 $0x0  }
0x25: {  	[tilespmem:s12], [sflag:$0x1] =	stream.linear.gather [hbm4b:s3+s21], $0x1F40, $0x38;
	[tilespmem:$0x11B00] =	vst v63  }
0x26: {  	s22 =	simm.s32 $0x0  }
0x27: {  	[tilespmem:s13], [sflag:$0x1] =	stream.linear.gather [hbm4b:s4+s21], $0x1F40, $0x38;
	[tilespmem:$0x11B00] =	vst v63  }
.LBB2_12:
0x28: {  	s22 =	sadd.s32 $0x1, s22  }
0x29: {  	p0 =	sne.s32 s22, $0x14  }
.Ltmp4:
0x2a: {  	_ = 	snop;
	(pc) =	sbr.rel @!p0 .LBB2_13-.Ltmp4, $1  }
0x2b: {  	_ =	sdelay $0x3  }
.LBB2_4:
0x2c: {  	_ =	swait.ge [sflag:s14], $0x1F40  }
0x2d: {  	s23 =	smul.u32 $0x3E80, s22;
	[sflag:s14] =	ssyncset.done $0x0  }
0x2e: {  	[sflag:s14] =	ssyncadd.s32 $0xFFFFE0C0  }
0x2f: {  	s24 =	sshrl.u32 s23, $0x3;
	_ =	swait.ge [sflag:s14], $0x1F40  }
0x30: {  	s24 =	sadd.s32 $0x3E8, s24;
	[sflag:s14] =	ssyncset.done $0x0  }
0x31: {  	s25 =	sadd.s32 s3, s24;
	[sflag:s14] =	ssyncadd.s32 $0xFFFFE0C0  }
0x32: {  	[tilespmem:s15], [sflag:$0x2] =	stream.linear.gather [hbm4b:s25+s21], $0x1F40, $0x38;
	[tilespmem:$0x11B00] =	vst v63  }
0x33: {  	s24 =	sadd.s32 s4, s24  }
0x34: {  	[tilespmem:s16], [sflag:$0x2] =	stream.linear.gather [hbm4b:s24+s21], $0x1F40, $0x38;
	[tilespmem:$0x11B00] =	vst v63  }
0x35: {  	v4 =	vimm.s32 $0x0;
	s24 =	simm.s32 $0x0  }
.LBB2_5:
0x36: {  	s25 =	sshra.s32 s24, $0x2  }
0x37: {  	v5 =	vld [tilespmem:s25+$0xDC80];
	_ =	sdelay $0x4  }
0x38: {  	(xrf1) =	vunique.msk.u32 $0xffff, v5;
	_ =	sdelay $0x4  }
0x39: {  	v6 =	vld [tilespmem:s25+$0x9E00];
	_ =	sdelay $0x7  }
0x3a: {  	v7 =	vld.idx.msk [tilespmem:v6+s2+$0x0], $0xffff  }
0x3b: {  	v9 =	vld.idx.msk [tilespmem:v5+s17+$0x0], $0xffff;
	_, v8, vm0 =	vpop (xrf1);
	_ =	sdelay $0x4  }
0x3c: {  	v9 =	vmax.bf16 v9, v7  }
0x3d: {  	v6 =	vld.idx.msk [tilespmem:v6+s11+$0x0], $0xffff;
	[tilespmem:v5+s17+$0x0] =	vst.idx.msk vm0, v9  }
0x3e: {  	v9 =	vld.idx.msk [tilespmem:v5+s18+$0x0], $0xffff;
	_ =	sdelay $0x4  }
0x3f: {  	v9 =	vmax.bf16 v9, v6  }
0x40: {  	[tilespmem:v5+s18+$0x0] =	vst.idx.msk vm0, v9  }
0x41: {  	vm0 =	vmneg vm0;
	v9 =	vld.idx.msk [tilespmem:v5+s17+$0x0], $0xffff;
	_ =	sdelay $0x4  }
0x42: {  	v7 =	vmax.bf16 v9, v7  }
0x43: {  	[tilespmem:v5+s17+$0x0] =	vst.idx.msk vm0, v7  }
0x44: {  	v7 =	vld.idx.msk [tilespmem:v5+s18+$0x0], $0xffff;
	_ =	sdelay $0x4  }
0x45: {  	v6 =	vmax.bf16 v7, v6  }
0x46: {  	[tilespmem:v5+s18+$0x0] =	vst.idx.msk vm0, v6  }
0x47: {  	v5 =	vld [tilespmem:s25+$0xDC90];
	_ =	sdelay $0x4  }
0x48: {  	(xrf1) =	vunique.msk.u32 $0xffff, v5;
	_ =	sdelay $0x4  }
0x49: {  	v6 =	vld [tilespmem:s25+$0x9E10];
	_ =	sdelay $0x7  }
0x4a: {  	v7 =	vld.idx.msk [tilespmem:v6+s2+$0x0], $0xffff  }
0x4b: {  	v10 =	vld.idx.msk [tilespmem:v5+s17+$0x0], $0xffff;
	_, v63, vm15 =	vpop (xrf1);
	_ =	sdelay $0x4  }
0x4c: {  	v10 =	vmax.bf16 v10, v7  }
0x4d: {  	v6 =	vld.idx.msk [tilespmem:v6+s11+$0x0], $0xffff;
	[tilespmem:v5+s17+$0x0] =	vst.idx.msk vm15, v10  }
0x4e: {  	v10 =	vld.idx.msk [tilespmem:v5+s18+$0x0], $0xffff;
	_ =	sdelay $0x4  }
0x4f: {  	v10 =	vmax.bf16 v10, v6  }
0x50: {  	[tilespmem:v5+s18+$0x0] =	vst.idx.msk vm15, v10  }
0x51: {  	vm0 =	vmneg vm15;
	v10 =	vld.idx.msk [tilespmem:v5+s17+$0x0], $0xffff;
	_ =	sdelay $0x4  }
0x52: {  	v7 =	vmax.bf16 v10, v7  }
0x53: {  	[tilespmem:v5+s17+$0x0] =	vst.idx.msk vm0, v7  }
0x54: {  	v7 =	vld.idx.msk [tilespmem:v5+s18+$0x0], $0xffff  }
0x55: {  	p0 =	sne.s32 s24, $0x7C80  }
.Ltmp5:
0x56: {  	_ = 	snop;
	(pc) =	sbr.rel @p0 .LBB2_5-.Ltmp5, $4  }
0x57: {  	vm1 =	vgt.s32 v8, $0x2;
	vm2 =	vgt.s32 v63, $0x2  }
0x58: {  	vm1 =	vmor vm1, vm2  }
0x59: {  	v6 =	vmax.bf16 v7, v6;
	v7 =	vsel vm1, $0x1, v1  }
0x5a: {  	s24 =	sadd.s32 $0x80, s24;
	[tilespmem:v5+s18+$0x0] =	vst.idx.msk vm0, v6;
	v4 =	vor.u32 v7, v4  }
0x5b: {  	vm0 =	vne.s32 v4, $0x0  }
0x5c: {  	v4 =	vmpcnt.ones.xlane vm0;
	_ =	sdelay $0x1  }
0x5d: {  	(v2sf) =	vpush v4, $0x0;
	_ =	sdelay $0xe  }
0x5e: {  	s24 =	spop (v2sf)  }
0x5f: {  	p0 =	slt.s32 s24, $0x1  }
.Ltmp6:
0x60: {  	_ = 	snop;
	(pc) =	sbr.rel @p0 .LBB2_8-.Ltmp6, $2  }
0x61: {  	_ =	sdelay $0x2  }
0x62: {  	s24 =	simm.s32 $0x0  }
.LBB2_7:
0x63: {  	s25 =	sshra.s32 s24, $0x2  }
0x64: {  	v5 =	vld [tilespmem:s25+$0x9E00]  }
0x65: {  	v4 =	vld [tilespmem:s25+$0xDC80];
	_ =	sdelay $0x6  }
0x66: {  	v6 =	vld.idx.msk [tilespmem:v5+s2+$0x0], $0xffff  }
0x67: {  	v7 =	vld.idx.msk [tilespmem:v4+s17+$0x0], $0xffff;
	_ =	sdelay $0x4  }
0x68: {  	vm0 =	vge.bf16 v7, v6  }
0x69: {  	v8 =	vsel vm0, v3, v2  }
0x6a: {  	vm0 =	vne.s32 v8, $0x3F803F80;
	_ =	sdelay $0x4  }
0x6b: {  	v7 =	vmax.bf16 v7, v6  }
0x6c: {  	v5 =	vld.idx.msk [tilespmem:v5+s11+$0x0], $0xffff;
	[tilespmem:v4+s17+$0x0] =	vst.idx.msk vm0, v7  }
0x6d: {  	v7 =	vld.idx.msk [tilespmem:v4+s18+$0x0], $0xffff;
	_ =	sdelay $0x4  }
0x6e: {  	vm11 =	vge.bf16 v7, v5  }
0x6f: {  	v35 =	vsel vm11, v3, v2  }
0x70: {  	vm0 =	vne.s32 v35, $0x3F803F80;
	_ =	sdelay $0x4  }
0x71: {  	v7 =	vmax.bf16 v7, v5  }
0x72: {  	[tilespmem:v4+s18+$0x0] =	vst.idx.msk vm0, v7  }
0x73: {  	v7 =	vld.idx.msk [tilespmem:v4+s17+$0x0], $0xffff;
	_ =	sdelay $0x4  }
0x74: {  	vm12 =	vge.bf16 v7, v6  }
0x75: {  	v36 =	vsel vm12, v3, v2  }
0x76: {  	vm0 =	vne.s32 v36, $0x3F803F80;
	_ =	sdelay $0x4  }
0x77: {  	v7 =	vmax.bf16 v7, v6  }
0x78: {  	[tilespmem:v4+s17+$0x0] =	vst.idx.msk vm0, v7  }
0x79: {  	v7 =	vld.idx.msk [tilespmem:v4+s18+$0x0], $0xffff;
	_ =	sdelay $0x4  }
0x7a: {  	vm13 =	vge.bf16 v7, v5  }
0x7b: {  	v37 =	vsel vm13, v3, v2  }
0x7c: {  	vm0 =	vne.s32 v37, $0x3F803F80;
	_ =	sdelay $0x4  }
0x7d: {  	v7 =	vmax.bf16 v7, v5  }
0x7e: {  	[tilespmem:v4+s18+$0x0] =	vst.idx.msk vm0, v7  }
0x7f: {  	v7 =	vld.idx.msk [tilespmem:v4+s17+$0x0], $0xffff;
	_ =	sdelay $0x4  }
0x80: {  	vm14 =	vge.bf16 v7, v6  }
0x81: {  	v38 =	vsel vm14, v3, v2  }
0x82: {  	vm0 =	vne.s32 v38, $0x3F803F80;
	_ =	sdelay $0x4  }
0x83: {  	v7 =	vmax.bf16 v7, v6  }
0x84: {  	[tilespmem:v4+s17+$0x0] =	vst.idx.msk vm0, v7  }
0x85: {  	v7 =	vld.idx.msk [tilespmem:v4+s18+$0x0], $0xffff;
	_ =	sdelay $0x4  }
0x86: {  	vm15 =	vge.bf16 v7, v5  }
0x87: {  	v39 =	vsel vm15, v3, v2  }
0x88: {  	vm0 =	vne.s32 v39, $0x3F803F80;
	_ =	sdelay $0x4  }
0x89: {  	v7 =	vmax.bf16 v7, v5  }
0x8a: {  	[tilespmem:v4+s18+$0x0] =	vst.idx.msk vm0, v7  }
0x8b: {  	v7 =	vld.idx.msk [tilespmem:v4+s17+$0x0], $0xffff;
	_ =	sdelay $0x4  }
0x8c: {  	vm4 =	vge.bf16 v7, v6  }
0x8d: {  	v40 =	vsel vm4, v3, v2  }
0x8e: {  	vm0 =	vne.s32 v40, $0x3F803F80;
	_ =	sdelay $0x4  }
0x8f: {  	v7 =	vmax.bf16 v7, v6  }
0x90: {  	[tilespmem:v4+s17+$0x0] =	vst.idx.msk vm0, v7  }
0x91: {  	v7 =	vld.idx.msk [tilespmem:v4+s18+$0x0], $0xffff;
	_ =	sdelay $0x4  }
0x92: {  	vm5 =	vge.bf16 v7, v5  }
0x93: {  	v41 =	vsel vm5, v3, v2  }
0x94: {  	vm0 =	vne.s32 v41, $0x3F803F80;
	_ =	sdelay $0x4  }
0x95: {  	v7 =	vmax.bf16 v7, v5  }
0x96: {  	[tilespmem:v4+s18+$0x0] =	vst.idx.msk vm0, v7  }
0x97: {  	v7 =	vld.idx.msk [tilespmem:v4+s17+$0x0], $0xffff;
	_ =	sdelay $0x4  }
0x98: {  	vm6 =	vge.bf16 v7, v6  }
0x99: {  	v42 =	vsel vm6, v3, v2  }
0x9a: {  	vm0 =	vne.s32 v42, $0x3F803F80;
	_ =	sdelay $0x4  }
0x9b: {  	v7 =	vmax.bf16 v7, v6  }
0x9c: {  	[tilespmem:v4+s17+$0x0] =	vst.idx.msk vm0, v7  }
0x9d: {  	v7 =	vld.idx.msk [tilespmem:v4+s18+$0x0], $0xffff;
	_ =	sdelay $0x4  }
0x9e: {  	vm7 =	vge.bf16 v7, v5  }
0x9f: {  	v43 =	vsel vm7, v3, v2  }
0xa0: {  	vm0 =	vne.s32 v43, $0x3F803F80;
	_ =	sdelay $0x4  }
0xa1: {  	v7 =	vmax.bf16 v7, v5  }
0xa2: {  	[tilespmem:v4+s18+$0x0] =	vst.idx.msk vm0, v7  }
0xa3: {  	v7 =	vld.idx.msk [tilespmem:v4+s17+$0x0], $0xffff;
	_ =	sdelay $0x4  }
0xa4: {  	vm8 =	vge.bf16 v7, v6  }
0xa5: {  	v44 =	vsel vm8, v3, v2  }
0xa6: {  	vm0 =	vne.s32 v44, $0x3F803F80;
	_ =	sdelay $0x4  }
0xa7: {  	v7 =	vmax.bf16 v7, v6  }
0xa8: {  	[tilespmem:v4+s17+$0x0] =	vst.idx.msk vm0, v7  }
0xa9: {  	v7 =	vld.idx.msk [tilespmem:v4+s18+$0x0], $0xffff;
	_ =	sdelay $0x4  }
0xaa: {  	vm9 =	vge.bf16 v7, v5  }
0xab: {  	v45 =	vsel vm9, v3, v2  }
0xac: {  	vm0 =	vne.s32 v45, $0x3F803F80;
	_ =	sdelay $0x4  }
0xad: {  	v7 =	vmax.bf16 v7, v5  }
0xae: {  	[tilespmem:v4+s18+$0x0] =	vst.idx.msk vm0, v7  }
0xaf: {  	v7 =	vld.idx.msk [tilespmem:v4+s17+$0x0], $0xffff;
	_ =	sdelay $0x4  }
0xb0: {  	vm10 =	vge.bf16 v7, v6  }
0xb1: {  	v46 =	vsel vm10, v3, v2  }
0xb2: {  	vm0 =	vne.s32 v46, $0x3F803F80;
	_ =	sdelay $0x4  }
0xb3: {  	v7 =	vmax.bf16 v7, v6  }
0xb4: {  	[tilespmem:v4+s17+$0x0] =	vst.idx.msk vm0, v7  }
0xb5: {  	v7 =	vld.idx.msk [tilespmem:v4+s18+$0x0], $0xffff;
	_ =	sdelay $0x4  }
0xb6: {  	vm11 =	vge.bf16 v7, v5  }
0xb7: {  	v47 =	vsel vm11, v3, v2  }
0xb8: {  	vm0 =	vne.s32 v47, $0x3F803F80;
	_ =	sdelay $0x4  }
0xb9: {  	v7 =	vmax.bf16 v7, v5  }
0xba: {  	[tilespmem:v4+s18+$0x0] =	vst.idx.msk vm0, v7  }
0xbb: {  	v7 =	vld.idx.msk [tilespmem:v4+s17+$0x0], $0xffff;
	_ =	sdelay $0x4  }
0xbc: {  	vm12 =	vge.bf16 v7, v6  }
0xbd: {  	v48 =	vsel vm12, v3, v2  }
0xbe: {  	vm0 =	vne.s32 v48, $0x3F803F80;
	_ =	sdelay $0x4  }
0xbf: {  	v7 =	vmax.bf16 v7, v6  }
0xc0: {  	[tilespmem:v4+s17+$0x0] =	vst.idx.msk vm0, v7  }
0xc1: {  	v7 =	vld.idx.msk [tilespmem:v4+s18+$0x0], $0xffff;
	_ =	sdelay $0x4  }
0xc2: {  	vm13 =	vge.bf16 v7, v5  }
0xc3: {  	v49 =	vsel vm13, v3, v2  }
0xc4: {  	vm0 =	vne.s32 v49, $0x3F803F80;
	_ =	sdelay $0x4  }
0xc5: {  	v7 =	vmax.bf16 v7, v5  }
0xc6: {  	[tilespmem:v4+s18+$0x0] =	vst.idx.msk vm0, v7  }
0xc7: {  	v7 =	vld.idx.msk [tilespmem:v4+s17+$0x0], $0xffff;
	_ =	sdelay $0x4  }
0xc8: {  	vm14 =	vge.bf16 v7, v6  }
0xc9: {  	v50 =	vsel vm14, v3, v2  }
0xca: {  	vm0 =	vne.s32 v50, $0x3F803F80;
	_ =	sdelay $0x4  }
0xcb: {  	v7 =	vmax.bf16 v7, v6  }
0xcc: {  	[tilespmem:v4+s17+$0x0] =	vst.idx.msk vm0, v7  }
0xcd: {  	v7 =	vld.idx.msk [tilespmem:v4+s18+$0x0], $0xffff;
	_ =	sdelay $0x4  }
0xce: {  	vm15 =	vge.bf16 v7, v5  }
0xcf: {  	v51 =	vsel vm15, v3, v2  }
0xd0: {  	vm0 =	vne.s32 v51, $0x3F803F80;
	_ =	sdelay $0x4  }
0xd1: {  	v7 =	vmax.bf16 v7, v5  }
0xd2: {  	[tilespmem:v4+s18+$0x0] =	vst.idx.msk vm0, v7  }
0xd3: {  	v7 =	vld.idx.msk [tilespmem:v4+s17+$0x0], $0xffff;
	_ =	sdelay $0x4  }
0xd4: {  	vm4 =	vge.bf16 v7, v6  }
0xd5: {  	v52 =	vsel vm4, v3, v2  }
0xd6: {  	vm0 =	vne.s32 v52, $0x3F803F80;
	_ =	sdelay $0x4  }
0xd7: {  	v7 =	vmax.bf16 v7, v6  }
0xd8: {  	[tilespmem:v4+s17+$0x0] =	vst.idx.msk vm0, v7  }
0xd9: {  	v7 =	vld.idx.msk [tilespmem:v4+s18+$0x0], $0xffff;
	_ =	sdelay $0x4  }
0xda: {  	vm5 =	vge.bf16 v7, v5  }
0xdb: {  	v53 =	vsel vm5, v3, v2  }
0xdc: {  	vm0 =	vne.s32 v53, $0x3F803F80;
	_ =	sdelay $0x4  }
0xdd: {  	v7 =	vmax.bf16 v7, v5  }
0xde: {  	[tilespmem:v4+s18+$0x0] =	vst.idx.msk vm0, v7  }
0xdf: {  	v7 =	vld.idx.msk [tilespmem:v4+s17+$0x0], $0xffff;
	_ =	sdelay $0x4  }
0xe0: {  	vm6 =	vge.bf16 v7, v6  }
0xe1: {  	v54 =	vsel vm6, v3, v2  }
0xe2: {  	vm0 =	vne.s32 v54, $0x3F803F80;
	_ =	sdelay $0x4  }
0xe3: {  	v7 =	vmax.bf16 v7, v6  }
0xe4: {  	[tilespmem:v4+s17+$0x0] =	vst.idx.msk vm0, v7  }
0xe5: {  	v7 =	vld.idx.msk [tilespmem:v4+s18+$0x0], $0xffff;
	_ =	sdelay $0x4  }
0xe6: {  	vm7 =	vge.bf16 v7, v5  }
0xe7: {  	v55 =	vsel vm7, v3, v2  }
0xe8: {  	vm0 =	vne.s32 v55, $0x3F803F80;
	_ =	sdelay $0x4  }
0xe9: {  	v7 =	vmax.bf16 v7, v5  }
0xea: {  	[tilespmem:v4+s18+$0x0] =	vst.idx.msk vm0, v7  }
0xeb: {  	v7 =	vld.idx.msk [tilespmem:v4+s17+$0x0], $0xffff;
	_ =	sdelay $0x4  }
0xec: {  	vm8 =	vge.bf16 v7, v6  }
0xed: {  	v56 =	vsel vm8, v3, v2  }
0xee: {  	vm0 =	vne.s32 v56, $0x3F803F80;
	_ =	sdelay $0x4  }
0xef: {  	v7 =	vmax.bf16 v7, v6  }
0xf0: {  	[tilespmem:v4+s17+$0x0] =	vst.idx.msk vm0, v7  }
0xf1: {  	v7 =	vld.idx.msk [tilespmem:v4+s18+$0x0], $0xffff;
	_ =	sdelay $0x4  }
0xf2: {  	vm9 =	vge.bf16 v7, v5  }
0xf3: {  	v57 =	vsel vm9, v3, v2  }
0xf4: {  	vm0 =	vne.s32 v57, $0x3F803F80;
	_ =	sdelay $0x4  }
0xf5: {  	v7 =	vmax.bf16 v7, v5  }
0xf6: {  	[tilespmem:v4+s18+$0x0] =	vst.idx.msk vm0, v7  }
0xf7: {  	v7 =	vld.idx.msk [tilespmem:v4+s17+$0x0], $0xffff;
	_ =	sdelay $0x4  }
0xf8: {  	vm10 =	vge.bf16 v7, v6  }
0xf9: {  	v58 =	vsel vm10, v3, v2  }
0xfa: {  	vm0 =	vne.s32 v58, $0x3F803F80;
	_ =	sdelay $0x4  }
0xfb: {  	v7 =	vmax.bf16 v7, v6  }
0xfc: {  	[tilespmem:v4+s17+$0x0] =	vst.idx.msk vm0, v7  }
0xfd: {  	v7 =	vld.idx.msk [tilespmem:v4+s18+$0x0], $0xffff;
	_ =	sdelay $0x4  }
0xfe: {  	vm11 =	vge.bf16 v7, v5  }
0xff: {  	v59 =	vsel vm11, v3, v2  }
0x100: {  	vm0 =	vne.s32 v59, $0x3F803F80;
	_ =	sdelay $0x4  }
0x101: {  	v7 =	vmax.bf16 v7, v5  }
0x102: {  	[tilespmem:v4+s18+$0x0] =	vst.idx.msk vm0, v7  }
0x103: {  	v7 =	vld.idx.msk [tilespmem:v4+s17+$0x0], $0xffff;
	_ =	sdelay $0x4  }
0x104: {  	vm12 =	vge.bf16 v7, v6  }
0x105: {  	v60 =	vsel vm12, v3, v2  }
0x106: {  	vm0 =	vne.s32 v60, $0x3F803F80;
	_ =	sdelay $0x4  }
0x107: {  	v7 =	vmax.bf16 v7, v6  }
0x108: {  	[tilespmem:v4+s17+$0x0] =	vst.idx.msk vm0, v7  }
0x109: {  	v7 =	vld.idx.msk [tilespmem:v4+s18+$0x0], $0xffff;
	_ =	sdelay $0x4  }
0x10a: {  	vm13 =	vge.bf16 v7, v5  }
0x10b: {  	v61 =	vsel vm13, v3, v2  }
0x10c: {  	vm0 =	vne.s32 v61, $0x3F803F80;
	_ =	sdelay $0x4  }
0x10d: {  	v7 =	vmax.bf16 v7, v5  }
0x10e: {  	[tilespmem:v4+s18+$0x0] =	vst.idx.msk vm0, v7  }
0x10f: {  	v7 =	vld.idx.msk [tilespmem:v4+s17+$0x0], $0xffff;
	_ =	sdelay $0x4  }
0x110: {  	vm14 =	vge.bf16 v7, v6  }
0x111: {  	v62 =	vsel vm14, v3, v2  }
0x112: {  	vm0 =	vne.s32 v62, $0x3F803F80;
	_ =	sdelay $0x4  }
0x113: {  	v6 =	vmax.bf16 v7, v6  }
0x114: {  	[tilespmem:v4+s17+$0x0] =	vst.idx.msk vm0, v6  }
0x115: {  	v6 =	vld.idx.msk [tilespmem:v4+s18+$0x0], $0xffff;
	_ =	sdelay $0x4  }
0x116: {  	vm15 =	vge.bf16 v6, v5  }
0x117: {  	v63 =	vsel vm15, v3, v2  }
0x118: {  	vm0 =	vne.s32 v63, $0x3F803F80  }
0x119: {  	p0 =	sne.s32 s24, $0x7CC0  }
.Ltmp7:
0x11a: {  	_ = 	snop;
	(pc) =	sbr.rel @p0 .LBB2_7-.Ltmp7, $3  }
0x11b: {  	_ =	sdelay $0x1  }
0x11c: {  	v5 =	vmax.bf16 v6, v5  }
0x11d: {  	s24 =	sadd.s32 $0x40, s24;
	[tilespmem:v4+s18+$0x0] =	vst.idx.msk vm0, v5  }
.LBB2_8:
0x11e: {  	_ =	swait.ge [sflag:s19], $0x1F40  }
0x11f: {  	[sflag:s19] =	ssyncset.done $0x0  }
0x120: {  	p0 =	seq.s32 s22, $0x13;
	[sflag:s19] =	ssyncadd.s32 $0xFFFFE0C0  }
0x121: {  	s23 =	sshrl.u32 @!p0 s23, $0x3;
	_ =	swait.ge [sflag:s19], $0x1F40  }
0x122: {  	s25 =	simm.s32 @!p0 $0x0;
	s23 =	sadd.s32 @!p0 $0x7D0, s23;
	[sflag:s19] =	ssyncset.done $0x0  }
0x123: {  	s26 =	simm.s32 @!p0 $0x9E00;
	s24 =	sadd.s32 @!p0 s3, s23;
	[sflag:s19] =	ssyncadd.s32 $0xFFFFE0C0  }
0x124: {  	[tilespmem:s26], [sflag:$0x1] =	stream.linear.gather @!p0 [hbm4b:s24+s25], $0x1F40, $0x38;
	[tilespmem:$0x11B00] =	vst v63  }
0x125: {  	s23 =	sadd.s32 @!p0 s4, s23;
	s24 =	simm.s32 @!p0 $0xDC80  }
0x126: {  	[tilespmem:s24], [sflag:$0x1] =	stream.linear.gather @!p0 [hbm4b:s23+s25], $0x1F40, $0x38;
	[tilespmem:$0x11B00] =	vst v63  }
0x127: {  	v4 =	vimm.s32 $0x0;
	s23 =	simm.s32 $0x0  }
.LBB2_9:
0x128: {  	s24 =	sshra.s32 s23, $0x2  }
0x129: {  	v5 =	vld [tilespmem:s24+$0xFBC0];
	_ =	sdelay $0x4  }
0x12a: {  	(xrf1) =	vunique.msk.u32 $0xffff, v5;
	_ =	sdelay $0x4  }
0x12b: {  	v6 =	vld [tilespmem:s24+$0xBD40];
	_ =	sdelay $0x7  }
0x12c: {  	v7 =	vld.idx.msk [tilespmem:v6+s2+$0x0], $0xffff  }
0x12d: {  	v9 =	vld.idx.msk [tilespmem:v5+s17+$0x0], $0xffff;
	_, v8, vm0 =	vpop (xrf1);
	_ =	sdelay $0x4  }
0x12e: {  	v9 =	vmax.bf16 v9, v7  }
0x12f: {  	v6 =	vld.idx.msk [tilespmem:v6+s11+$0x0], $0xffff;
	[tilespmem:v5+s17+$0x0] =	vst.idx.msk vm0, v9  }
0x130: {  	v9 =	vld.idx.msk [tilespmem:v5+s18+$0x0], $0xffff;
	_ =	sdelay $0x4  }
0x131: {  	v9 =	vmax.bf16 v9, v6  }
0x132: {  	[tilespmem:v5+s18+$0x0] =	vst.idx.msk vm0, v9  }
0x133: {  	vm0 =	vmneg vm0;
	v9 =	vld.idx.msk [tilespmem:v5+s17+$0x0], $0xffff;
	_ =	sdelay $0x4  }
0x134: {  	v7 =	vmax.bf16 v9, v7  }
0x135: {  	[tilespmem:v5+s17+$0x0] =	vst.idx.msk vm0, v7  }
0x136: {  	v7 =	vld.idx.msk [tilespmem:v5+s18+$0x0], $0xffff;
	_ =	sdelay $0x4  }
0x137: {  	v6 =	vmax.bf16 v7, v6  }
0x138: {  	[tilespmem:v5+s18+$0x0] =	vst.idx.msk vm0, v6  }
0x139: {  	v5 =	vld [tilespmem:s24+$0xFBD0];
	_ =	sdelay $0x4  }
0x13a: {  	(xrf1) =	vunique.msk.u32 $0xffff, v5;
	_ =	sdelay $0x4  }
0x13b: {  	v6 =	vld [tilespmem:s24+$0xBD50];
	_ =	sdelay $0x7  }
0x13c: {  	v7 =	vld.idx.msk [tilespmem:v6+s2+$0x0], $0xffff  }
0x13d: {  	v10 =	vld.idx.msk [tilespmem:v5+s17+$0x0], $0xffff;
	_, v63, vm15 =	vpop (xrf1);
	_ =	sdelay $0x4  }
0x13e: {  	v10 =	vmax.bf16 v10, v7  }
0x13f: {  	v6 =	vld.idx.msk [tilespmem:v6+s11+$0x0], $0xffff;
	[tilespmem:v5+s17+$0x0] =	vst.idx.msk vm15, v10  }
0x140: {  	v10 =	vld.idx.msk [tilespmem:v5+s18+$0x0], $0xffff;
	_ =	sdelay $0x4  }
0x141: {  	v10 =	vmax.bf16 v10, v6  }
0x142: {  	[tilespmem:v5+s18+$0x0] =	vst.idx.msk vm15, v10  }
0x143: {  	vm0 =	vmneg vm15;
	v10 =	vld.idx.msk [tilespmem:v5+s17+$0x0], $0xffff;
	_ =	sdelay $0x4  }
0x144: {  	v7 =	vmax.bf16 v10, v7  }
0x145: {  	[tilespmem:v5+s17+$0x0] =	vst.idx.msk vm0, v7  }
0x146: {  	v7 =	vld.idx.msk [tilespmem:v5+s18+$0x0], $0xffff  }
0x147: {  	p0 =	sne.s32 s23, $0x7C80  }
.Ltmp8:
0x148: {  	_ = 	snop;
	(pc) =	sbr.rel @p0 .LBB2_9-.Ltmp8, $4  }
0x149: {  	vm1 =	vgt.s32 v8, $0x2;
	vm2 =	vgt.s32 v63, $0x2  }
0x14a: {  	vm1 =	vmor vm1, vm2  }
0x14b: {  	v6 =	vmax.bf16 v7, v6;
	v7 =	vsel vm1, $0x1, v1  }
0x14c: {  	s23 =	sadd.s32 $0x80, s23;
	[tilespmem:v5+s18+$0x0] =	vst.idx.msk vm0, v6;
	v4 =	vor.u32 v7, v4  }
0x14d: {  	vm0 =	vne.s32 v4, $0x0  }
0x14e: {  	v4 =	vmpcnt.ones.xlane vm0;
	_ =	sdelay $0x1  }
0x14f: {  	(v2sf) =	vpush v4, $0x0;
	_ =	sdelay $0xe  }
0x150: {  	s23 =	spop (v2sf)  }
0x151: {  	p0 =	slt.s32 s23, $0x1  }
.Ltmp9:
0x152: {  	_ = 	snop;
	(pc) =	sbr.rel @p0 .LBB2_12-.Ltmp9, $2  }
0x153: {  	_ =	sdelay $0x2  }
0x154: {  	s23 =	simm.s32 $0x0  }
.LBB2_11:
0x155: {  	s24 =	sshra.s32 s23, $0x2  }
0x156: {  	v5 =	vld [tilespmem:s24+$0xBD40]  }
0x157: {  	v4 =	vld [tilespmem:s24+$0xFBC0];
	_ =	sdelay $0x6  }
0x158: {  	v6 =	vld.idx.msk [tilespmem:v5+s2+$0x0], $0xffff  }
0x159: {  	v7 =	vld.idx.msk [tilespmem:v4+s17+$0x0], $0xffff;
	_ =	sdelay $0x4  }
0x15a: {  	vm0 =	vge.bf16 v7, v6  }
0x15b: {  	v8 =	vsel vm0, v3, v2  }
0x15c: {  	vm0 =	vne.s32 v8, $0x3F803F80;
	_ =	sdelay $0x4  }
0x15d: {  	v7 =	vmax.bf16 v7, v6  }
0x15e: {  	v5 =	vld.idx.msk [tilespmem:v5+s11+$0x0], $0xffff;
	[tilespmem:v4+s17+$0x0] =	vst.idx.msk vm0, v7  }
0x15f: {  	v7 =	vld.idx.msk [tilespmem:v4+s18+$0x0], $0xffff;
	_ =	sdelay $0x4  }
0x160: {  	vm11 =	vge.bf16 v7, v5  }
0x161: {  	v35 =	vsel vm11, v3, v2  }
0x162: {  	vm0 =	vne.s32 v35, $0x3F803F80;
	_ =	sdelay $0x4  }
0x163: {  	v7 =	vmax.bf16 v7, v5  }
0x164: {  	[tilespmem:v4+s18+$0x0] =	vst.idx.msk vm0, v7  }
0x165: {  	v7 =	vld.idx.msk [tilespmem:v4+s17+$0x0], $0xffff;
	_ =	sdelay $0x4  }
0x166: {  	vm12 =	vge.bf16 v7, v6  }
0x167: {  	v36 =	vsel vm12, v3, v2  }
0x168: {  	vm0 =	vne.s32 v36, $0x3F803F80;
	_ =	sdelay $0x4  }
0x169: {  	v7 =	vmax.bf16 v7, v6  }
0x16a: {  	[tilespmem:v4+s17+$0x0] =	vst.idx.msk vm0, v7  }
0x16b: {  	v7 =	vld.idx.msk [tilespmem:v4+s18+$0x0], $0xffff;
	_ =	sdelay $0x4  }
0x16c: {  	vm13 =	vge.bf16 v7, v5  }
0x16d: {  	v37 =	vsel vm13, v3, v2  }
0x16e: {  	vm0 =	vne.s32 v37, $0x3F803F80;
	_ =	sdelay $0x4  }
0x16f: {  	v7 =	vmax.bf16 v7, v5  }
0x170: {  	[tilespmem:v4+s18+$0x0] =	vst.idx.msk vm0, v7  }
0x171: {  	v7 =	vld.idx.msk [tilespmem:v4+s17+$0x0], $0xffff;
	_ =	sdelay $0x4  }
0x172: {  	vm14 =	vge.bf16 v7, v6  }
0x173: {  	v38 =	vsel vm14, v3, v2  }
0x174: {  	vm0 =	vne.s32 v38, $0x3F803F80;
	_ =	sdelay $0x4  }
0x175: {  	v7 =	vmax.bf16 v7, v6  }
0x176: {  	[tilespmem:v4+s17+$0x0] =	vst.idx.msk vm0, v7  }
0x177: {  	v7 =	vld.idx.msk [tilespmem:v4+s18+$0x0], $0xffff;
	_ =	sdelay $0x4  }
0x178: {  	vm15 =	vge.bf16 v7, v5  }
0x179: {  	v39 =	vsel vm15, v3, v2  }
0x17a: {  	vm0 =	vne.s32 v39, $0x3F803F80;
	_ =	sdelay $0x4  }
0x17b: {  	v7 =	vmax.bf16 v7, v5  }
0x17c: {  	[tilespmem:v4+s18+$0x0] =	vst.idx.msk vm0, v7  }
0x17d: {  	v7 =	vld.idx.msk [tilespmem:v4+s17+$0x0], $0xffff;
	_ =	sdelay $0x4  }
0x17e: {  	vm4 =	vge.bf16 v7, v6  }
0x17f: {  	v40 =	vsel vm4, v3, v2  }
0x180: {  	vm0 =	vne.s32 v40, $0x3F803F80;
	_ =	sdelay $0x4  }
0x181: {  	v7 =	vmax.bf16 v7, v6  }
0x182: {  	[tilespmem:v4+s17+$0x0] =	vst.idx.msk vm0, v7  }
0x183: {  	v7 =	vld.idx.msk [tilespmem:v4+s18+$0x0], $0xffff;
	_ =	sdelay $0x4  }
0x184: {  	vm5 =	vge.bf16 v7, v5  }
0x185: {  	v41 =	vsel vm5, v3, v2  }
0x186: {  	vm0 =	vne.s32 v41, $0x3F803F80;
	_ =	sdelay $0x4  }
0x187: {  	v7 =	vmax.bf16 v7, v5  }
0x188: {  	[tilespmem:v4+s18+$0x0] =	vst.idx.msk vm0, v7  }
0x189: {  	v7 =	vld.idx.msk [tilespmem:v4+s17+$0x0], $0xffff;
	_ =	sdelay $0x4  }
0x18a: {  	vm6 =	vge.bf16 v7, v6  }
0x18b: {  	v42 =	vsel vm6, v3, v2  }
0x18c: {  	vm0 =	vne.s32 v42, $0x3F803F80;
	_ =	sdelay $0x4  }
0x18d: {  	v7 =	vmax.bf16 v7, v6  }
0x18e: {  	[tilespmem:v4+s17+$0x0] =	vst.idx.msk vm0, v7  }
0x18f: {  	v7 =	vld.idx.msk [tilespmem:v4+s18+$0x0], $0xffff;
	_ =	sdelay $0x4  }
0x190: {  	vm7 =	vge.bf16 v7, v5  }
0x191: {  	v43 =	vsel vm7, v3, v2  }
0x192: {  	vm0 =	vne.s32 v43, $0x3F803F80;
	_ =	sdelay $0x4  }
0x193: {  	v7 =	vmax.bf16 v7, v5  }
0x194: {  	[tilespmem:v4+s18+$0x0] =	vst.idx.msk vm0, v7  }
0x195: {  	v7 =	vld.idx.msk [tilespmem:v4+s17+$0x0], $0xffff;
	_ =	sdelay $0x4  }
0x196: {  	vm8 =	vge.bf16 v7, v6  }
0x197: {  	v44 =	vsel vm8, v3, v2  }
0x198: {  	vm0 =	vne.s32 v44, $0x3F803F80;
	_ =	sdelay $0x4  }
0x199: {  	v7 =	vmax.bf16 v7, v6  }
0x19a: {  	[tilespmem:v4+s17+$0x0] =	vst.idx.msk vm0, v7  }
0x19b: {  	v7 =	vld.idx.msk [tilespmem:v4+s18+$0x0], $0xffff;
	_ =	sdelay $0x4  }
0x19c: {  	vm9 =	vge.bf16 v7, v5  }
0x19d: {  	v45 =	vsel vm9, v3, v2  }
0x19e: {  	vm0 =	vne.s32 v45, $0x3F803F80;
	_ =	sdelay $0x4  }
0x19f: {  	v7 =	vmax.bf16 v7, v5  }
0x1a0: {  	[tilespmem:v4+s18+$0x0] =	vst.idx.msk vm0, v7  }
0x1a1: {  	v7 =	vld.idx.msk [tilespmem:v4+s17+$0x0], $0xffff;
	_ =	sdelay $0x4  }
0x1a2: {  	vm10 =	vge.bf16 v7, v6  }
0x1a3: {  	v46 =	vsel vm10, v3, v2  }
0x1a4: {  	vm0 =	vne.s32 v46, $0x3F803F80;
	_ =	sdelay $0x4  }
0x1a5: {  	v7 =	vmax.bf16 v7, v6  }
0x1a6: {  	[tilespmem:v4+s17+$0x0] =	vst.idx.msk vm0, v7  }
0x1a7: {  	v7 =	vld.idx.msk [tilespmem:v4+s18+$0x0], $0xffff;
	_ =	sdelay $0x4  }
0x1a8: {  	vm11 =	vge.bf16 v7, v5  }
0x1a9: {  	v47 =	vsel vm11, v3, v2  }
0x1aa: {  	vm0 =	vne.s32 v47, $0x3F803F80;
	_ =	sdelay $0x4  }
0x1ab: {  	v7 =	vmax.bf16 v7, v5  }
0x1ac: {  	[tilespmem:v4+s18+$0x0] =	vst.idx.msk vm0, v7  }
0x1ad: {  	v7 =	vld.idx.msk [tilespmem:v4+s17+$0x0], $0xffff;
	_ =	sdelay $0x4  }
0x1ae: {  	vm12 =	vge.bf16 v7, v6  }
0x1af: {  	v48 =	vsel vm12, v3, v2  }
0x1b0: {  	vm0 =	vne.s32 v48, $0x3F803F80;
	_ =	sdelay $0x4  }
0x1b1: {  	v7 =	vmax.bf16 v7, v6  }
0x1b2: {  	[tilespmem:v4+s17+$0x0] =	vst.idx.msk vm0, v7  }
0x1b3: {  	v7 =	vld.idx.msk [tilespmem:v4+s18+$0x0], $0xffff;
	_ =	sdelay $0x4  }
0x1b4: {  	vm13 =	vge.bf16 v7, v5  }
0x1b5: {  	v49 =	vsel vm13, v3, v2  }
0x1b6: {  	vm0 =	vne.s32 v49, $0x3F803F80;
	_ =	sdelay $0x4  }
0x1b7: {  	v7 =	vmax.bf16 v7, v5  }
0x1b8: {  	[tilespmem:v4+s18+$0x0] =	vst.idx.msk vm0, v7  }
0x1b9: {  	v7 =	vld.idx.msk [tilespmem:v4+s17+$0x0], $0xffff;
	_ =	sdelay $0x4  }
0x1ba: {  	vm14 =	vge.bf16 v7, v6  }
0x1bb: {  	v50 =	vsel vm14, v3, v2  }
0x1bc: {  	vm0 =	vne.s32 v50, $0x3F803F80;
	_ =	sdelay $0x4  }
0x1bd: {  	v7 =	vmax.bf16 v7, v6  }
0x1be: {  	[tilespmem:v4+s17+$0x0] =	vst.idx.msk vm0, v7  }
0x1bf: {  	v7 =	vld.idx.msk [tilespmem:v4+s18+$0x0], $0xffff;
	_ =	sdelay $0x4  }
0x1c0: {  	vm15 =	vge.bf16 v7, v5  }
0x1c1: {  	v51 =	vsel vm15, v3, v2  }
0x1c2: {  	vm0 =	vne.s32 v51, $0x3F803F80;
	_ =	sdelay $0x4  }
0x1c3: {  	v7 =	vmax.bf16 v7, v5  }
0x1c4: {  	[tilespmem:v4+s18+$0x0] =	vst.idx.msk vm0, v7  }
0x1c5: {  	v7 =	vld.idx.msk [tilespmem:v4+s17+$0x0], $0xffff;
	_ =	sdelay $0x4  }
0x1c6: {  	vm4 =	vge.bf16 v7, v6  }
0x1c7: {  	v52 =	vsel vm4, v3, v2  }
0x1c8: {  	vm0 =	vne.s32 v52, $0x3F803F80;
	_ =	sdelay $0x4  }
0x1c9: {  	v7 =	vmax.bf16 v7, v6  }
0x1ca: {  	[tilespmem:v4+s17+$0x0] =	vst.idx.msk vm0, v7  }
0x1cb: {  	v7 =	vld.idx.msk [tilespmem:v4+s18+$0x0], $0xffff;
	_ =	sdelay $0x4  }
0x1cc: {  	vm5 =	vge.bf16 v7, v5  }
0x1cd: {  	v53 =	vsel vm5, v3, v2  }
0x1ce: {  	vm0 =	vne.s32 v53, $0x3F803F80;
	_ =	sdelay $0x4  }
0x1cf: {  	v7 =	vmax.bf16 v7, v5  }
0x1d0: {  	[tilespmem:v4+s18+$0x0] =	vst.idx.msk vm0, v7  }
0x1d1: {  	v7 =	vld.idx.msk [tilespmem:v4+s17+$0x0], $0xffff;
	_ =	sdelay $0x4  }
0x1d2: {  	vm6 =	vge.bf16 v7, v6  }
0x1d3: {  	v54 =	vsel vm6, v3, v2  }
0x1d4: {  	vm0 =	vne.s32 v54, $0x3F803F80;
	_ =	sdelay $0x4  }
0x1d5: {  	v7 =	vmax.bf16 v7, v6  }
0x1d6: {  	[tilespmem:v4+s17+$0x0] =	vst.idx.msk vm0, v7  }
0x1d7: {  	v7 =	vld.idx.msk [tilespmem:v4+s18+$0x0], $0xffff;
	_ =	sdelay $0x4  }
0x1d8: {  	vm7 =	vge.bf16 v7, v5  }
0x1d9: {  	v55 =	vsel vm7, v3, v2  }
0x1da: {  	vm0 =	vne.s32 v55, $0x3F803F80;
	_ =	sdelay $0x4  }
0x1db: {  	v7 =	vmax.bf16 v7, v5  }
0x1dc: {  	[tilespmem:v4+s18+$0x0] =	vst.idx.msk vm0, v7  }
0x1dd: {  	v7 =	vld.idx.msk [tilespmem:v4+s17+$0x0], $0xffff;
	_ =	sdelay $0x4  }
0x1de: {  	vm8 =	vge.bf16 v7, v6  }
0x1df: {  	v56 =	vsel vm8, v3, v2  }
0x1e0: {  	vm0 =	vne.s32 v56, $0x3F803F80;
	_ =	sdelay $0x4  }
0x1e1: {  	v7 =	vmax.bf16 v7, v6  }
0x1e2: {  	[tilespmem:v4+s17+$0x0] =	vst.idx.msk vm0, v7  }
0x1e3: {  	v7 =	vld.idx.msk [tilespmem:v4+s18+$0x0], $0xffff;
	_ =	sdelay $0x4  }
0x1e4: {  	vm9 =	vge.bf16 v7, v5  }
0x1e5: {  	v57 =	vsel vm9, v3, v2  }
0x1e6: {  	vm0 =	vne.s32 v57, $0x3F803F80;
	_ =	sdelay $0x4  }
0x1e7: {  	v7 =	vmax.bf16 v7, v5  }
0x1e8: {  	[tilespmem:v4+s18+$0x0] =	vst.idx.msk vm0, v7  }
0x1e9: {  	v7 =	vld.idx.msk [tilespmem:v4+s17+$0x0], $0xffff;
	_ =	sdelay $0x4  }
0x1ea: {  	vm10 =	vge.bf16 v7, v6  }
0x1eb: {  	v58 =	vsel vm10, v3, v2  }
0x1ec: {  	vm0 =	vne.s32 v58, $0x3F803F80;
	_ =	sdelay $0x4  }
0x1ed: {  	v7 =	vmax.bf16 v7, v6  }
0x1ee: {  	[tilespmem:v4+s17+$0x0] =	vst.idx.msk vm0, v7  }
0x1ef: {  	v7 =	vld.idx.msk [tilespmem:v4+s18+$0x0], $0xffff;
	_ =	sdelay $0x4  }
0x1f0: {  	vm11 =	vge.bf16 v7, v5  }
0x1f1: {  	v59 =	vsel vm11, v3, v2  }
0x1f2: {  	vm0 =	vne.s32 v59, $0x3F803F80;
	_ =	sdelay $0x4  }
0x1f3: {  	v7 =	vmax.bf16 v7, v5  }
0x1f4: {  	[tilespmem:v4+s18+$0x0] =	vst.idx.msk vm0, v7  }
0x1f5: {  	v7 =	vld.idx.msk [tilespmem:v4+s17+$0x0], $0xffff;
	_ =	sdelay $0x4  }
0x1f6: {  	vm12 =	vge.bf16 v7, v6  }
0x1f7: {  	v60 =	vsel vm12, v3, v2  }
0x1f8: {  	vm0 =	vne.s32 v60, $0x3F803F80;
	_ =	sdelay $0x4  }
0x1f9: {  	v7 =	vmax.bf16 v7, v6  }
0x1fa: {  	[tilespmem:v4+s17+$0x0] =	vst.idx.msk vm0, v7  }
0x1fb: {  	v7 =	vld.idx.msk [tilespmem:v4+s18+$0x0], $0xffff;
	_ =	sdelay $0x4  }
0x1fc: {  	vm13 =	vge.bf16 v7, v5  }
0x1fd: {  	v61 =	vsel vm13, v3, v2  }
0x1fe: {  	vm0 =	vne.s32 v61, $0x3F803F80;
	_ =	sdelay $0x4  }
0x1ff: {  	v7 =	vmax.bf16 v7, v5  }
0x200: {  	[tilespmem:v4+s18+$0x0] =	vst.idx.msk vm0, v7  }
0x201: {  	v7 =	vld.idx.msk [tilespmem:v4+s17+$0x0], $0xffff;
	_ =	sdelay $0x4  }
0x202: {  	vm14 =	vge.bf16 v7, v6  }
0x203: {  	v62 =	vsel vm14, v3, v2  }
0x204: {  	vm0 =	vne.s32 v62, $0x3F803F80;
	_ =	sdelay $0x4  }
0x205: {  	v6 =	vmax.bf16 v7, v6  }
0x206: {  	[tilespmem:v4+s17+$0x0] =	vst.idx.msk vm0, v6  }
0x207: {  	v6 =	vld.idx.msk [tilespmem:v4+s18+$0x0], $0xffff;
	_ =	sdelay $0x4  }
0x208: {  	vm15 =	vge.bf16 v6, v5  }
0x209: {  	v63 =	vsel vm15, v3, v2  }
0x20a: {  	vm0 =	vne.s32 v63, $0x3F803F80  }
0x20b: {  	p0 =	sne.s32 s23, $0x7CC0  }
.Ltmp10:
0x20c: {  	_ = 	snop;
	(pc) =	sbr.rel @p0 .LBB2_11-.Ltmp10, $3  }
0x20d: {  	_ =	sdelay $0x1  }
0x20e: {  	v5 =	vmax.bf16 v6, v5  }
0x20f: {  	s23 =	sadd.s32 $0x40, s23;
	[tilespmem:v4+s18+$0x0] =	vst.idx.msk vm0, v5  }
.Ltmp11:
0x210: {  	_ = 	snop;
	(pc) =	sbr.rel .LBB2_12-.Ltmp11, $1  }
0x211: {  	_ =	sdelay $0x3  }
.LBB2_14:
0x212: {  	_ =	sfence.sel $0x180000  }
0x213: {  	[bflag:$0x0] =	sbarrier.arrive $0xFFFF  }
0x214: {  	p0 =	sne.s32 s1, $0x0;
	_ =	strace $0x90000047  }
0x215: {  	s0 =	sadd.s32 @!p0 $0x100000, s0;
	[bflag:$0x2] =	sbarrier.arrive $0xFFFF  }
0x216: {  	[sflag:s0] =	ssyncadd.tile.s32 @!p0 $0x1;
	_ =	shalt  }
.Lfunc_end2:
_tile_overlayer_lowered:
.L_overlay_start_2:
0x217: {  	(tag) =	ssettag $0x2  }
0x218: {  	s0 =	rddreg [dreg:$0x0];
	s2 =	stileid.u32  }
0x219: {  	s1 =	rddreg [dreg:$0x1];
	p0 =	sne.s32 s2, $0x0  }
0x21a: {  	s3 =	rddreg [dreg:$0x2];
	[bflag:$0x3] =	sbarrier.arrive $0xFFFF;
	s2 =	simm.s32 @!p0 $0x1C03  }
0x21b: {  	[timem:s3], [sflag:s2] =	dma.local @!p0 [hbm:s0], s1  }
0x21c: {  	s0 =	simm.s32 @!p0 $0x3  }
0x21d: {  	_ =	swait.ge @!p0 [sflag:s0], s1  }
0x21e: {  	s1 =	ssub.s32 @!p0 $0x0, s1;
	[sflag:s0] =	ssyncset.done @!p0 $0x0  }
0x21f: {  	[sflag:s0] =	ssyncadd.s32 @!p0 s1  }
0x220: {  	[bflag:$0x3] =	sbarrier.arrive $0xFFFF  }
0x221: {  	_ =	shalt  }

</sc_bundles>
